<compile_context>
chip_gen: v7x
topology: tpu7x:2x2x1
jax: 0.10.2.dev20260603
libtpu: 0.0.44.dev20260713+nightly
codegen_flags: <defaults>
</compile_context>

<pallas_src>
import functools

import jax
import jax.numpy as jnp
from jax import lax
from jax.experimental import pallas as pl
from jax.experimental.pallas import tpu as pltpu
from jax.experimental.pallas import tpu_sc as plsc

N_ATOMS = 10000
N_PAIRS = 640000
N_ATOMBASIS = 128
N_RBF = 64
CUTOFF = 8.0

NC, NS = 2, 16
NW = NC * NS
PAIRS_PER_W = N_PAIRS // NW
PAIR_ROUNDS = 2
PAIRS_PER_ROUND = PAIRS_PER_W // PAIR_ROUNDS
FEAT_PAD = 10240
FEAT_PER_W = FEAT_PAD // NW
FEAT_CHUNK = 80


def _sc_sparse(pos_flat, idx_i, idx_j, an_pad, emb_table):
    mesh = plsc.VectorSubcoreMesh(core_axis_name="c", subcore_axis_name="s")

    @functools.partial(
        pl.kernel,
        mesh=mesh,
        compiler_params=pltpu.CompilerParams(needs_layout_passes=False),
        out_type=(
            jax.ShapeDtypeStruct((N_PAIRS,), jnp.float32),
            jax.ShapeDtypeStruct((FEAT_PAD, N_ATOMBASIS), jnp.float32),
        ),
        scratch_types=[
            pltpu.VMEM((3 * N_ATOMS,), jnp.float32),
            pltpu.VMEM((PAIRS_PER_ROUND,), jnp.int32),
            pltpu.VMEM((PAIRS_PER_ROUND,), jnp.int32),
            pltpu.VMEM((PAIRS_PER_ROUND,), jnp.float32),
            pltpu.VMEM((FEAT_PER_W,), jnp.int32),
            pltpu.VMEM((FEAT_PER_W, N_ATOMBASIS), jnp.float32),
            pltpu.SemaphoreType.DMA,
        ],
    )
    def k(pos_hbm, ii_hbm, jj_hbm, an_hbm, emb_hbm, d2_hbm, feat_hbm,
          pos_v, ii_v, jj_v, d2_v, an_v, rows_v, sem):
        wid = lax.axis_index("s") * NC + lax.axis_index("c")

        fbase = wid * FEAT_PER_W
        pltpu.sync_copy(an_hbm.at[pl.ds(fbase, FEAT_PER_W)], an_v)
        for f in range(FEAT_PER_W // FEAT_CHUNK):
            pltpu.async_copy(
                emb_hbm.at[an_v.at[pl.ds(f * FEAT_CHUNK, FEAT_CHUNK)]],
                rows_v.at[pl.ds(f * FEAT_CHUNK, FEAT_CHUNK)],
                sem,
            ).wait()
        pltpu.sync_copy(rows_v, feat_hbm.at[pl.ds(fbase, FEAT_PER_W)])

        pltpu.sync_copy(pos_hbm, pos_v)
        for r in range(PAIR_ROUNDS):
            base = wid * PAIRS_PER_W + r * PAIRS_PER_ROUND
            pltpu.sync_copy(ii_hbm.at[pl.ds(base, PAIRS_PER_ROUND)], ii_v)
            pltpu.sync_copy(jj_hbm.at[pl.ds(base, PAIRS_PER_ROUND)], jj_v)

            @plsc.parallel_loop(0, PAIRS_PER_ROUND, step=16, unroll=4)
            def body(off):
                ii3 = ii_v[pl.ds(off, 16)] * 3
                jj3 = jj_v[pl.ds(off, 16)] * 3
                dx = (plsc.load_gather(pos_v, [jj3])
                      - plsc.load_gather(pos_v, [ii3]))
                dy = (plsc.load_gather(pos_v, [jj3 + 1])
                      - plsc.load_gather(pos_v, [ii3 + 1]))
                dz = (plsc.load_gather(pos_v, [jj3 + 2])
                      - plsc.load_gather(pos_v, [ii3 + 2]))
                d2_v[pl.ds(off, 16)] = dx * dx + dy * dy + dz * dz
            pltpu.sync_copy(d2_v, d2_hbm.at[pl.ds(base, PAIRS_PER_ROUND)])

    return k(pos_flat, idx_i, idx_j, an_pad, emb_table)


def _tc_dist(d2r):
    def body(d2_ref, dist_ref, cut_ref, xp_ref):
        d2b = d2_ref[...]
        d = jnp.sqrt(d2b)
        dist_ref[...] = d
        x = d * (1.0 / CUTOFF)
        x3 = x * x * x
        fc = 1.0 - 10.0 * x3 + 15.0 * x3 * x - 6.0 * x3 * x * x
        cut_ref[...] = jnp.where(d < CUTOFF, fc, 0.0)
        xp_ref[...] = jnp.exp(-d)

    R = 40
    n = d2r.shape[0] // R
    out = jax.ShapeDtypeStruct(d2r.shape, jnp.float32)
    return pl.pallas_call(
        body,
        grid=(n,),
        in_specs=[pl.BlockSpec((R, 128), lambda i: (i, 0))],
        out_specs=[pl.BlockSpec((R, 128), lambda i: (i, 0))] * 3,
        out_shape=(out, out, out),
    )(d2r)


def _tc_rbf(xp_r, c64, wn64):
    P = 1024

    def body(x_ref, c_ref, w_ref, out_ref):
        x8 = x_ref[...]
        xt = jnp.transpose(x8)
        c = c_ref[...]
        w = w_ref[...]
        for a in range(8):
            xb = jnp.broadcast_to(xt[:, a:a + 1], (128, N_RBF))
            t = xb - c
            out_ref[pl.ds(a * 128, 128), :] = jnp.exp(w * t * t)

    n = N_PAIRS // P
    return pl.pallas_call(
        body,
        grid=(n,),
        in_specs=[
            pl.BlockSpec((P // 128, 128), lambda i: (i, 0)),
            pl.BlockSpec((1, N_RBF), lambda i: (0, 0)),
            pl.BlockSpec((1, N_RBF), lambda i: (0, 0)),
        ],
        out_specs=pl.BlockSpec((P, N_RBF), lambda i: (i, 0)),
        out_shape=jax.ShapeDtypeStruct((N_PAIRS, N_RBF), jnp.float32),
    )(xp_r, c64, wn64)


def kernel(atomic_numbers, positions, idx_i, idx_j, emb_table, rbf_centers,
           rbf_widths):
    pos_flat = positions.reshape(-1)
    an_pad = jnp.concatenate(
        [atomic_numbers.astype(jnp.int32),
         jnp.zeros((FEAT_PAD - N_ATOMS,), jnp.int32)])

    d2, feat_pad = _sc_sparse(pos_flat, idx_i.astype(jnp.int32),
                              idx_j.astype(jnp.int32), an_pad, emb_table)

    dist_r, cut_r, xp_r = _tc_dist(d2.reshape(N_PAIRS // 128, 128))

    c64 = rbf_centers.reshape(1, N_RBF)
    wn64 = (-rbf_widths).reshape(1, N_RBF)
    rbfs = _tc_rbf(xp_r, c64, wn64)

    features = feat_pad[:N_ATOMS]
    distances = dist_r.reshape(N_PAIRS)
    cutoffs = cut_r.reshape(N_PAIRS)
    return (features, distances, cutoffs, rbfs)

# --- scband reference (transcript-rebuilt; emitter-appended) ---
"""Pipeline reference for scband-input-phys-net-59614146068749 (READ-ONLY COPY).

The authoritative reference and input builder live on the scoring server;
editing this copy changes nothing except your own understanding.
"""

import jax, jax.numpy as jnp
import numpy as np

N_ATOMS = 10000
N_PAIRS = 640000
N_MAXATOM = 94
N_ATOMBASIS = 128
N_RBF = 64
CUTOFF = 8.0
CENTER_START = 1.0
CENTER_END = 8.0  # defaults to input_radial_cutoff


def setup_inputs(seed: int = 0) -> dict:
    key = jax.random.key(seed)
    k1, k2, k3, k4, k5 = jax.random.split(key, 5)
    atomic_numbers = jax.random.randint(k1, (N_ATOMS,), 0, N_MAXATOM)
    positions = jax.random.normal(k2, (N_ATOMS, 3), dtype=jnp.float32)
    idx_i = jax.random.randint(k3, (N_PAIRS,), 0, N_ATOMS)
    # avoid exact self-pairs (zero distance) for numerical safety
    idx_j = (idx_i + 1 + jax.random.randint(k4, (N_PAIRS,), 0, N_ATOMS - 1)) % N_ATOMS
    # learned atom feature embedding table, uniform in [-sqrt(3), sqrt(3)], padding_idx=0
    frange = float(np.sqrt(3.0))
    emb_table = jax.random.uniform(k5, (N_MAXATOM + 1, N_ATOMBASIS), dtype=jnp.float32, minval=-frange, maxval=frange)
    emb_table = emb_table.at[0].set(0.0)
    # PhysNet RBF parameters (trainable): centers in exp(-r) space, shared width
    centers = jnp.linspace(np.exp(-CENTER_START), np.exp(-CENTER_END), N_RBF).astype(jnp.float32)
    width = float(((2.0 / N_RBF) * (np.exp(-CENTER_START) - np.exp(-CENTER_END))) ** -2)
    widths = jnp.full((N_RBF,), width, dtype=jnp.float32)
    return {
        "atomic_numbers": atomic_numbers,
        "positions": positions,
        "idx_i": idx_i,
        "idx_j": idx_j,
        "emb_table": emb_table,
        "rbf_centers": centers,
        "rbf_widths": widths,
    }


def poly6_cutoff(d, rc):
    x = d / rc
    fc = 1.0 - 10.0 * x ** 3 + 15.0 * x ** 4 - 6.0 * x ** 5
    return jnp.where(d < rc, fc, jnp.zeros_like(d))


def reference(atomic_numbers, positions, idx_i, idx_j, emb_table, rbf_centers, rbf_widths):
    # atom feature embedding lookup (nn.Embedding gather)
    features = jnp.take(emb_table, atomic_numbers, axis=0)
    # pairwise distances via gathered positions (no pbc_offset)
    vec = jnp.take(positions, idx_j, axis=0) - jnp.take(positions, idx_i, axis=0)
    distances = jnp.sqrt(jnp.sum(vec * vec, axis=-1))
    # Poly6 cutoff function
    cutoffs = poly6_cutoff(distances, CUTOFF)
    # PhysNet exponential-Gaussian radial basis expansion
    rbfs = jnp.exp(-rbf_widths[None, :] * (jnp.exp(-distances)[:, None] - rbf_centers[None, :]) ** 2)
    return (features, distances, cutoffs, rbfs)

if __name__ == "__main__":
    import jax
    _d = setup_inputs()
    print(jax.jit(kernel)(*tuple(_d.values())))

</pallas_src>

<mosaic_0001>
#map = affine_map<(d0, d1) -> (0)>
#map1 = affine_map<(d0, d1) -> (0, 0)>
module attributes {stable_mosaic.version = 14 : i64} {
  func.func @k(%arg0: i32, %arg1: i32, %arg2: memref<30000xf32, #tpu.memory_space<hbm>>, %arg3: memref<640000xi32, #tpu.memory_space<hbm>>, %arg4: memref<640000xi32, #tpu.memory_space<hbm>>, %arg5: memref<10240xi32, #tpu.memory_space<hbm>>, %arg6: memref<95x128xf32, #tpu.memory_space<hbm>>, %arg7: memref<640000xf32, #tpu.memory_space<hbm>>, %arg8: memref<10240x128xf32, #tpu.memory_space<hbm>>, %arg9: memref<30000xf32, #tpu.memory_space<vmem>>, %arg10: memref<10000xi32, #tpu.memory_space<vmem>>, %arg11: memref<10000xi32, #tpu.memory_space<vmem>>, %arg12: memref<10000xf32, #tpu.memory_space<vmem>>, %arg13: memref<320xi32, #tpu.memory_space<vmem>>, %arg14: memref<320x128xf32, #tpu.memory_space<vmem>>, %arg15: memref<!tpu.dma_semaphore, #tpu.memory_space<semaphore_mem>>) attributes {dimension_semantics = [#tpu.dimension_semantics<core_parallel>, #tpu.dimension_semantics<subcore_parallel>], iteration_bounds = array<i64: 2, 16>, scalar_prefetch = 0 : i64, scratch_operands = 7 : i64, tpu.core_type = #tpu.core_type<sc_vector_subcore>, window_params = [{transform_indices = #map}, {transform_indices = #map}, {transform_indices = #map}, {transform_indices = #map}, {transform_indices = #map1}, {transform_indices = #map}, {transform_indices = #map1}]} {
    %mul3A = arith.constant 2 : i32
    %mul3A_0 = arith.muli %arg1, %mul3A : i32
    %add3A = arith.addi %mul3A_0, %arg0 : i32
    %mul3A_1 = arith.constant 320 : i32
    %mul3A_2 = arith.muli %add3A, %mul3A_1 : i32
    "tpu.region"() ({
      %run_scoped3A = tpu.sem_alloc : memref<!tpu.dma_semaphore, #tpu.memory_space<semaphore_mem>>
      %dma_start3A_78 = tpu.memref_slice %arg5[%mul3A_2] : memref<10240xi32, #tpu.memory_space<hbm>> -> memref<320xi32, #tpu.memory_space<hbm>>
      %dma_start3A_79 = tpu.memref_slice %arg5[%mul3A_2] : memref<10240xi32, #tpu.memory_space<hbm>> -> memref<320xi32, #tpu.memory_space<hbm>>
      tpu.enqueue_dma source(%dma_start3A_79 : memref<320xi32, #tpu.memory_space<hbm>>) target(%arg13 : memref<320xi32, #tpu.memory_space<vmem>>) target_semaphore(%run_scoped3A : memref<!tpu.dma_semaphore, #tpu.memory_space<semaphore_mem>>)
      %dma_wait3A_80 = tpu.memref_slice %arg5[%mul3A_2] : memref<10240xi32, #tpu.memory_space<hbm>> -> memref<320xi32, #tpu.memory_space<hbm>>
      %dma_wait3A_81 = tpu.memref_slice %arg5[%mul3A_2] : memref<10240xi32, #tpu.memory_space<hbm>> -> memref<320xi32, #tpu.memory_space<hbm>>
      tpu.wait_dma2 semaphore(%run_scoped3A : memref<!tpu.dma_semaphore, #tpu.memory_space<semaphore_mem>>) src(%dma_wait3A_81 : memref<320xi32, #tpu.memory_space<hbm>>) dst(%arg13 : memref<320xi32, #tpu.memory_space<vmem>>)
      tpu.yield
    }) : () -> ()
    %dma_start3A = arith.constant 0 : i32
    %dma_start3A_3 = arith.constant 0 : i32
    %dma_start3A_4 = tpu.memref_slice %arg14[%dma_start3A, %dma_start3A_3] : memref<320x128xf32, #tpu.memory_space<vmem>> -> memref<80x128xf32, #tpu.memory_space<vmem>>
    %dma_start3A_5 = arith.constant 0 : i32
    %dma_start3A_6 = tpu.memref_slice %arg13[%dma_start3A_5] : memref<320xi32, #tpu.memory_space<vmem>> -> memref<80xi32, #tpu.memory_space<vmem>>
    %dma_start3A_7 = arith.constant 0 : i32
    %dma_start3A_8 = arith.constant 0 : i32
    %dma_start3A_9 = tpu.memref_slice %arg6[%dma_start3A_7, %dma_start3A_8] : memref<95x128xf32, #tpu.memory_space<hbm>> -> memref<95x128xf32, #tpu.memory_space<hbm>>
    tpu.enqueue_indirect_dma source(%dma_start3A_9 : memref<95x128xf32, #tpu.memory_space<hbm>>) target(%dma_start3A_4 : memref<80x128xf32, #tpu.memory_space<vmem>>) offsets(%dma_start3A_6 : memref<80xi32, #tpu.memory_space<vmem>>) semaphore(%arg15 : memref<!tpu.dma_semaphore, #tpu.memory_space<semaphore_mem>>)
    %dma_wait3A = arith.constant 0 : i32
    %dma_wait3A_10 = arith.constant 0 : i32
    %dma_wait3A_11 = tpu.memref_slice %arg14[%dma_wait3A, %dma_wait3A_10] : memref<320x128xf32, #tpu.memory_space<vmem>> -> memref<80x128xf32, #tpu.memory_space<vmem>>
    %dma_wait3A_12 = arith.constant 0 : i32
    %dma_wait3A_13 = tpu.memref_slice %arg13[%dma_wait3A_12] : memref<320xi32, #tpu.memory_space<vmem>> -> memref<80xi32, #tpu.memory_space<vmem>>
    %dma_wait3A_14 = arith.constant 0 : i32
    %dma_wait3A_15 = arith.constant 0 : i32
    %dma_wait3A_16 = tpu.memref_slice %arg6[%dma_wait3A_14, %dma_wait3A_15] : memref<95x128xf32, #tpu.memory_space<hbm>> -> memref<95x128xf32, #tpu.memory_space<hbm>>
    tpu.wait_indirect_dma semaphore(%arg15 : memref<!tpu.dma_semaphore, #tpu.memory_space<semaphore_mem>>) src(%dma_wait3A_16 : memref<95x128xf32, #tpu.memory_space<hbm>>) dst(%dma_wait3A_11 : memref<80x128xf32, #tpu.memory_space<vmem>>)
    %dma_start3A_17 = arith.constant 80 : i32
    %dma_start3A_18 = arith.constant 0 : i32
    %dma_start3A_19 = tpu.memref_slice %arg14[%dma_start3A_17, %dma_start3A_18] : memref<320x128xf32, #tpu.memory_space<vmem>> -> memref<80x128xf32, #tpu.memory_space<vmem>>
    %dma_start3A_20 = arith.constant 80 : i32
    %dma_start3A_21 = tpu.memref_slice %arg13[%dma_start3A_20] : memref<320xi32, #tpu.memory_space<vmem>> -> memref<80xi32, #tpu.memory_space<vmem>>
    %dma_start3A_22 = arith.constant 0 : i32
    %dma_start3A_23 = arith.constant 0 : i32
    %dma_start3A_24 = tpu.memref_slice %arg6[%dma_start3A_22, %dma_start3A_23] : memref<95x128xf32, #tpu.memory_space<hbm>> -> memref<95x128xf32, #tpu.memory_space<hbm>>
    tpu.enqueue_indirect_dma source(%dma_start3A_24 : memref<95x128xf32, #tpu.memory_space<hbm>>) target(%dma_start3A_19 : memref<80x128xf32, #tpu.memory_space<vmem>>) offsets(%dma_start3A_21 : memref<80xi32, #tpu.memory_space<vmem>>) semaphore(%arg15 : memref<!tpu.dma_semaphore, #tpu.memory_space<semaphore_mem>>)
    %dma_wait3A_25 = arith.constant 80 : i32
    %dma_wait3A_26 = arith.constant 0 : i32
    %dma_wait3A_27 = tpu.memref_slice %arg14[%dma_wait3A_25, %dma_wait3A_26] : memref<320x128xf32, #tpu.memory_space<vmem>> -> memref<80x128xf32, #tpu.memory_space<vmem>>
    %dma_wait3A_28 = arith.constant 80 : i32
    %dma_wait3A_29 = tpu.memref_slice %arg13[%dma_wait3A_28] : memref<320xi32, #tpu.memory_space<vmem>> -> memref<80xi32, #tpu.memory_space<vmem>>
    %dma_wait3A_30 = arith.constant 0 : i32
    %dma_wait3A_31 = arith.constant 0 : i32
    %dma_wait3A_32 = tpu.memref_slice %arg6[%dma_wait3A_30, %dma_wait3A_31] : memref<95x128xf32, #tpu.memory_space<hbm>> -> memref<95x128xf32, #tpu.memory_space<hbm>>
    tpu.wait_indirect_dma semaphore(%arg15 : memref<!tpu.dma_semaphore, #tpu.memory_space<semaphore_mem>>) src(%dma_wait3A_32 : memref<95x128xf32, #tpu.memory_space<hbm>>) dst(%dma_wait3A_27 : memref<80x128xf32, #tpu.memory_space<vmem>>)
    %dma_start3A_33 = arith.constant 160 : i32
    %dma_start3A_34 = arith.constant 0 : i32
    %dma_start3A_35 = tpu.memref_slice %arg14[%dma_start3A_33, %dma_start3A_34] : memref<320x128xf32, #tpu.memory_space<vmem>> -> memref<80x128xf32, #tpu.memory_space<vmem>>
    %dma_start3A_36 = arith.constant 160 : i32
    %dma_start3A_37 = tpu.memref_slice %arg13[%dma_start3A_36] : memref<320xi32, #tpu.memory_space<vmem>> -> memref<80xi32, #tpu.memory_space<vmem>>
    %dma_start3A_38 = arith.constant 0 : i32
    %dma_start3A_39 = arith.constant 0 : i32
    %dma_start3A_40 = tpu.memref_slice %arg6[%dma_start3A_38, %dma_start3A_39] : memref<95x128xf32, #tpu.memory_space<hbm>> -> memref<95x128xf32, #tpu.memory_space<hbm>>
    tpu.enqueue_indirect_dma source(%dma_start3A_40 : memref<95x128xf32, #tpu.memory_space<hbm>>) target(%dma_start3A_35 : memref<80x128xf32, #tpu.memory_space<vmem>>) offsets(%dma_start3A_37 : memref<80xi32, #tpu.memory_space<vmem>>) semaphore(%arg15 : memref<!tpu.dma_semaphore, #tpu.memory_space<semaphore_mem>>)
    %dma_wait3A_41 = arith.constant 160 : i32
    %dma_wait3A_42 = arith.constant 0 : i32
    %dma_wait3A_43 = tpu.memref_slice %arg14[%dma_wait3A_41, %dma_wait3A_42] : memref<320x128xf32, #tpu.memory_space<vmem>> -> memref<80x128xf32, #tpu.memory_space<vmem>>
    %dma_wait3A_44 = arith.constant 160 : i32
    %dma_wait3A_45 = tpu.memref_slice %arg13[%dma_wait3A_44] : memref<320xi32, #tpu.memory_space<vmem>> -> memref<80xi32, #tpu.memory_space<vmem>>
    %dma_wait3A_46 = arith.constant 0 : i32
    %dma_wait3A_47 = arith.constant 0 : i32
    %dma_wait3A_48 = tpu.memref_slice %arg6[%dma_wait3A_46, %dma_wait3A_47] : memref<95x128xf32, #tpu.memory_space<hbm>> -> memref<95x128xf32, #tpu.memory_space<hbm>>
    tpu.wait_indirect_dma semaphore(%arg15 : memref<!tpu.dma_semaphore, #tpu.memory_space<semaphore_mem>>) src(%dma_wait3A_48 : memref<95x128xf32, #tpu.memory_space<hbm>>) dst(%dma_wait3A_43 : memref<80x128xf32, #tpu.memory_space<vmem>>)
    %dma_start3A_49 = arith.constant 240 : i32
    %dma_start3A_50 = arith.constant 0 : i32
    %dma_start3A_51 = tpu.memref_slice %arg14[%dma_start3A_49, %dma_start3A_50] : memref<320x128xf32, #tpu.memory_space<vmem>> -> memref<80x128xf32, #tpu.memory_space<vmem>>
    %dma_start3A_52 = arith.constant 240 : i32
    %dma_start3A_53 = tpu.memref_slice %arg13[%dma_start3A_52] : memref<320xi32, #tpu.memory_space<vmem>> -> memref<80xi32, #tpu.memory_space<vmem>>
    %dma_start3A_54 = arith.constant 0 : i32
    %dma_start3A_55 = arith.constant 0 : i32
    %dma_start3A_56 = tpu.memref_slice %arg6[%dma_start3A_54, %dma_start3A_55] : memref<95x128xf32, #tpu.memory_space<hbm>> -> memref<95x128xf32, #tpu.memory_space<hbm>>
    tpu.enqueue_indirect_dma source(%dma_start3A_56 : memref<95x128xf32, #tpu.memory_space<hbm>>) target(%dma_start3A_51 : memref<80x128xf32, #tpu.memory_space<vmem>>) offsets(%dma_start3A_53 : memref<80xi32, #tpu.memory_space<vmem>>) semaphore(%arg15 : memref<!tpu.dma_semaphore, #tpu.memory_space<semaphore_mem>>)
    %dma_wait3A_57 = arith.constant 240 : i32
    %dma_wait3A_58 = arith.constant 0 : i32
    %dma_wait3A_59 = tpu.memref_slice %arg14[%dma_wait3A_57, %dma_wait3A_58] : memref<320x128xf32, #tpu.memory_space<vmem>> -> memref<80x128xf32, #tpu.memory_space<vmem>>
    %dma_wait3A_60 = arith.constant 240 : i32
    %dma_wait3A_61 = tpu.memref_slice %arg13[%dma_wait3A_60] : memref<320xi32, #tpu.memory_space<vmem>> -> memref<80xi32, #tpu.memory_space<vmem>>
    %dma_wait3A_62 = arith.constant 0 : i32
    %dma_wait3A_63 = arith.constant 0 : i32
    %dma_wait3A_64 = tpu.memref_slice %arg6[%dma_wait3A_62, %dma_wait3A_63] : memref<95x128xf32, #tpu.memory_space<hbm>> -> memref<95x128xf32, #tpu.memory_space<hbm>>
    tpu.wait_indirect_dma semaphore(%arg15 : memref<!tpu.dma_semaphore, #tpu.memory_space<semaphore_mem>>) src(%dma_wait3A_64 : memref<95x128xf32, #tpu.memory_space<hbm>>) dst(%dma_wait3A_59 : memref<80x128xf32, #tpu.memory_space<vmem>>)
    "tpu.region"() ({
      %run_scoped3A = tpu.sem_alloc : memref<!tpu.dma_semaphore, #tpu.memory_space<semaphore_mem>>
      %dma_start3A_78 = arith.constant 0 : i32
      %dma_start3A_79 = tpu.memref_slice %arg8[%mul3A_2, %dma_start3A_78] : memref<10240x128xf32, #tpu.memory_space<hbm>> -> memref<320x128xf32, #tpu.memory_space<hbm>>
      %dma_start3A_80 = arith.constant 0 : i32
      %dma_start3A_81 = tpu.memref_slice %arg8[%mul3A_2, %dma_start3A_80] : memref<10240x128xf32, #tpu.memory_space<hbm>> -> memref<320x128xf32, #tpu.memory_space<hbm>>
      tpu.enqueue_dma source(%arg14 : memref<320x128xf32, #tpu.memory_space<vmem>>) target(%dma_start3A_81 : memref<320x128xf32, #tpu.memory_space<hbm>>) target_semaphore(%run_scoped3A : memref<!tpu.dma_semaphore, #tpu.memory_space<semaphore_mem>>)
      %dma_wait3A_82 = arith.constant 0 : i32
      %dma_wait3A_83 = tpu.memref_slice %arg8[%mul3A_2, %dma_wait3A_82] : memref<10240x128xf32, #tpu.memory_space<hbm>> -> memref<320x128xf32, #tpu.memory_space<hbm>>
      %dma_wait3A_84 = arith.constant 0 : i32
      %dma_wait3A_85 = tpu.memref_slice %arg8[%mul3A_2, %dma_wait3A_84] : memref<10240x128xf32, #tpu.memory_space<hbm>> -> memref<320x128xf32, #tpu.memory_space<hbm>>
      tpu.wait_dma2 semaphore(%run_scoped3A : memref<!tpu.dma_semaphore, #tpu.memory_space<semaphore_mem>>) src(%arg14 : memref<320x128xf32, #tpu.memory_space<vmem>>) dst(%dma_wait3A_85 : memref<320x128xf32, #tpu.memory_space<hbm>>)
      tpu.yield
    }) : () -> ()
    "tpu.region"() ({
      %run_scoped3A = tpu.sem_alloc : memref<!tpu.dma_semaphore, #tpu.memory_space<semaphore_mem>>
      tpu.enqueue_dma source(%arg2 : memref<30000xf32, #tpu.memory_space<hbm>>) target(%arg9 : memref<30000xf32, #tpu.memory_space<vmem>>) target_semaphore(%run_scoped3A : memref<!tpu.dma_semaphore, #tpu.memory_space<semaphore_mem>>)
      tpu.wait_dma2 semaphore(%run_scoped3A : memref<!tpu.dma_semaphore, #tpu.memory_space<semaphore_mem>>) src(%arg2 : memref<30000xf32, #tpu.memory_space<hbm>>) dst(%arg9 : memref<30000xf32, #tpu.memory_space<vmem>>)
      tpu.yield
    }) : () -> ()
    %mul3A_65 = arith.constant 20000 : i32
    %mul3A_66 = arith.muli %add3A, %mul3A_65 : i32
    %add3A_67 = arith.constant 0 : i32
    %add3A_68 = arith.addi %mul3A_66, %add3A_67 : i32
    "tpu.region"() ({
      %run_scoped3A = tpu.sem_alloc : memref<!tpu.dma_semaphore, #tpu.memory_space<semaphore_mem>>
      %dma_start3A_78 = tpu.memref_slice %arg3[%add3A_68] : memref<640000xi32, #tpu.memory_space<hbm>> -> memref<10000xi32, #tpu.memory_space<hbm>>
      %dma_start3A_79 = tpu.memref_slice %arg3[%add3A_68] : memref<640000xi32, #tpu.memory_space<hbm>> -> memref<10000xi32, #tpu.memory_space<hbm>>
      tpu.enqueue_dma source(%dma_start3A_79 : memref<10000xi32, #tpu.memory_space<hbm>>) target(%arg10 : memref<10000xi32, #tpu.memory_space<vmem>>) target_semaphore(%run_scoped3A : memref<!tpu.dma_semaphore, #tpu.memory_space<semaphore_mem>>)
      %dma_wait3A_80 = tpu.memref_slice %arg3[%add3A_68] : memref<640000xi32, #tpu.memory_space<hbm>> -> memref<10000xi32, #tpu.memory_space<hbm>>
      %dma_wait3A_81 = tpu.memref_slice %arg3[%add3A_68] : memref<640000xi32, #tpu.memory_space<hbm>> -> memref<10000xi32, #tpu.memory_space<hbm>>
      tpu.wait_dma2 semaphore(%run_scoped3A : memref<!tpu.dma_semaphore, #tpu.memory_space<semaphore_mem>>) src(%dma_wait3A_81 : memref<10000xi32, #tpu.memory_space<hbm>>) dst(%arg10 : memref<10000xi32, #tpu.memory_space<vmem>>)
      tpu.yield
    }) : () -> ()
    "tpu.region"() ({
      %run_scoped3A = tpu.sem_alloc : memref<!tpu.dma_semaphore, #tpu.memory_space<semaphore_mem>>
      %dma_start3A_78 = tpu.memref_slice %arg4[%add3A_68] : memref<640000xi32, #tpu.memory_space<hbm>> -> memref<10000xi32, #tpu.memory_space<hbm>>
      %dma_start3A_79 = tpu.memref_slice %arg4[%add3A_68] : memref<640000xi32, #tpu.memory_space<hbm>> -> memref<10000xi32, #tpu.memory_space<hbm>>
      tpu.enqueue_dma source(%dma_start3A_79 : memref<10000xi32, #tpu.memory_space<hbm>>) target(%arg11 : memref<10000xi32, #tpu.memory_space<vmem>>) target_semaphore(%run_scoped3A : memref<!tpu.dma_semaphore, #tpu.memory_space<semaphore_mem>>)
      %dma_wait3A_80 = tpu.memref_slice %arg4[%add3A_68] : memref<640000xi32, #tpu.memory_space<hbm>> -> memref<10000xi32, #tpu.memory_space<hbm>>
      %dma_wait3A_81 = tpu.memref_slice %arg4[%add3A_68] : memref<640000xi32, #tpu.memory_space<hbm>> -> memref<10000xi32, #tpu.memory_space<hbm>>
      tpu.wait_dma2 semaphore(%run_scoped3A : memref<!tpu.dma_semaphore, #tpu.memory_space<semaphore_mem>>) src(%dma_wait3A_81 : memref<10000xi32, #tpu.memory_space<hbm>>) dst(%arg11 : memref<10000xi32, #tpu.memory_space<vmem>>)
      tpu.yield
    }) : () -> ()
    %parallel_loop3A = arith.constant 0 : i32
    %parallel_loop3A_69 = arith.constant 10000 : i32
    %parallel_loop3A_70 = arith.constant 16 : i32
    scf.for %parallel_loop3A_78 = %parallel_loop3A to %parallel_loop3A_69 step %parallel_loop3A_70  : i32 {
      %parallel_loop3A_79 = arith.index_cast %parallel_loop3A_78 : i32 to index
      %parallel_loop3A_80 = tpu.vector_load %arg10[%parallel_loop3A_79] {strides = array<i32>} : memref<10000xi32, #tpu.memory_space<vmem>>, vector<16xi32>,
      %parallel_loop3A_81 = arith.constant 3 : i32
      %parallel_loop3A_82 = vector.broadcast %parallel_loop3A_81 : i32 to vector<16xi32>
      %parallel_loop3A_83 = arith.muli %parallel_loop3A_80, %parallel_loop3A_82 : vector<16xi32>
      %parallel_loop3A_84 = arith.index_cast %parallel_loop3A_78 : i32 to index
      %parallel_loop3A_85 = tpu.vector_load %arg11[%parallel_loop3A_84] {strides = array<i32>} : memref<10000xi32, #tpu.memory_space<vmem>>, vector<16xi32>,
      %parallel_loop3A_86 = arith.constant 3 : i32
      %parallel_loop3A_87 = vector.broadcast %parallel_loop3A_86 : i32 to vector<16xi32>
      %parallel_loop3A_88 = arith.muli %parallel_loop3A_85, %parallel_loop3A_87 : vector<16xi32>
      %parallel_loop3A_89 = tpu.vector_load_idx %arg9[%parallel_loop3A_88] : memref<30000xf32, #tpu.memory_space<vmem>>[vector<16xi32>], vector<16xf32>,
      %parallel_loop3A_90 = tpu.vector_load_idx %arg9[%parallel_loop3A_83] : memref<30000xf32, #tpu.memory_space<vmem>>[vector<16xi32>], vector<16xf32>,
      %parallel_loop3A_91 = arith.subf %parallel_loop3A_89, %parallel_loop3A_90 : vector<16xf32>
      %parallel_loop3A_92 = arith.constant 1 : i32
      %parallel_loop3A_93 = vector.broadcast %parallel_loop3A_92 : i32 to vector<16xi32>
      %parallel_loop3A_94 = arith.addi %parallel_loop3A_88, %parallel_loop3A_93 : vector<16xi32>
      %parallel_loop3A_95 = tpu.vector_load_idx %arg9[%parallel_loop3A_94] : memref<30000xf32, #tpu.memory_space<vmem>>[vector<16xi32>], vector<16xf32>,
      %parallel_loop3A_96 = arith.constant 1 : i32
      %parallel_loop3A_97 = vector.broadcast %parallel_loop3A_96 : i32 to vector<16xi32>
      %parallel_loop3A_98 = arith.addi %parallel_loop3A_83, %parallel_loop3A_97 : vector<16xi32>
      %parallel_loop3A_99 = tpu.vector_load_idx %arg9[%parallel_loop3A_98] : memref<30000xf32, #tpu.memory_space<vmem>>[vector<16xi32>], vector<16xf32>,
      %parallel_loop3A_100 = arith.subf %parallel_loop3A_95, %parallel_loop3A_99 : vector<16xf32>
      %parallel_loop3A_101 = arith.constant 2 : i32
      %parallel_loop3A_102 = vector.broadcast %parallel_loop3A_101 : i32 to vector<16xi32>
      %parallel_loop3A_103 = arith.addi %parallel_loop3A_88, %parallel_loop3A_102 : vector<16xi32>
      %parallel_loop3A_104 = tpu.vector_load_idx %arg9[%parallel_loop3A_103] : memref<30000xf32, #tpu.memory_space<vmem>>[vector<16xi32>], vector<16xf32>,
      %parallel_loop3A_105 = arith.constant 2 : i32
      %parallel_loop3A_106 = vector.broadcast %parallel_loop3A_105 : i32 to vector<16xi32>
      %parallel_loop3A_107 = arith.addi %parallel_loop3A_83, %parallel_loop3A_106 : vector<16xi32>
      %parallel_loop3A_108 = tpu.vector_load_idx %arg9[%parallel_loop3A_107] : memref<30000xf32, #tpu.memory_space<vmem>>[vector<16xi32>], vector<16xf32>,
      %parallel_loop3A_109 = arith.subf %parallel_loop3A_104, %parallel_loop3A_108 : vector<16xf32>
      %parallel_loop3A_110 = arith.mulf %parallel_loop3A_91, %parallel_loop3A_91 : vector<16xf32>
      %parallel_loop3A_111 = arith.mulf %parallel_loop3A_100, %parallel_loop3A_100 : vector<16xf32>
      %parallel_loop3A_112 = arith.addf %parallel_loop3A_110, %parallel_loop3A_111 : vector<16xf32>
      %parallel_loop3A_113 = arith.mulf %parallel_loop3A_109, %parallel_loop3A_109 : vector<16xf32>
      %parallel_loop3A_114 = arith.addf %parallel_loop3A_112, %parallel_loop3A_113 : vector<16xf32>
      %parallel_loop3A_115 = arith.index_cast %parallel_loop3A_78 : i32 to index
      %parallel_loop3A_116 = tpu.vector_load %arg12[%parallel_loop3A_115] {strides = array<i32>} : memref<10000xf32, #tpu.memory_space<vmem>>, vector<16xf32>,
      tpu.vector_store %arg12[%parallel_loop3A_115], %parallel_loop3A_114 {strides = array<i32>} : memref<10000xf32, #tpu.memory_space<vmem>>, vector<16xf32>,
    } {sc.loop_unroll_factor = 4 : i64, sc.parallel_access}
    "tpu.region"() ({
      %run_scoped3A = tpu.sem_alloc : memref<!tpu.dma_semaphore, #tpu.memory_space<semaphore_mem>>
      %dma_start3A_78 = tpu.memref_slice %arg7[%add3A_68] : memref<640000xf32, #tpu.memory_space<hbm>> -> memref<10000xf32, #tpu.memory_space<hbm>>
      %dma_start3A_79 = tpu.memref_slice %arg7[%add3A_68] : memref<640000xf32, #tpu.memory_space<hbm>> -> memref<10000xf32, #tpu.memory_space<hbm>>
      tpu.enqueue_dma source(%arg12 : memref<10000xf32, #tpu.memory_space<vmem>>) target(%dma_start3A_79 : memref<10000xf32, #tpu.memory_space<hbm>>) target_semaphore(%run_scoped3A : memref<!tpu.dma_semaphore, #tpu.memory_space<semaphore_mem>>)
      %dma_wait3A_80 = tpu.memref_slice %arg7[%add3A_68] : memref<640000xf32, #tpu.memory_space<hbm>> -> memref<10000xf32, #tpu.memory_space<hbm>>
      %dma_wait3A_81 = tpu.memref_slice %arg7[%add3A_68] : memref<640000xf32, #tpu.memory_space<hbm>> -> memref<10000xf32, #tpu.memory_space<hbm>>
      tpu.wait_dma2 semaphore(%run_scoped3A : memref<!tpu.dma_semaphore, #tpu.memory_space<semaphore_mem>>) src(%arg12 : memref<10000xf32, #tpu.memory_space<vmem>>) dst(%dma_wait3A_81 : memref<10000xf32, #tpu.memory_space<hbm>>)
      tpu.yield
    }) : () -> ()
    %mul3A_71 = arith.constant 20000 : i32
    %mul3A_72 = arith.muli %add3A, %mul3A_71 : i32
    %add3A_73 = arith.constant 10000 : i32
    %add3A_74 = arith.addi %mul3A_72, %add3A_73 : i32
    "tpu.region"() ({
      %run_scoped3A = tpu.sem_alloc : memref<!tpu.dma_semaphore, #tpu.memory_space<semaphore_mem>>
      %dma_start3A_78 = tpu.memref_slice %arg3[%add3A_74] : memref<640000xi32, #tpu.memory_space<hbm>> -> memref<10000xi32, #tpu.memory_space<hbm>>
      %dma_start3A_79 = tpu.memref_slice %arg3[%add3A_74] : memref<640000xi32, #tpu.memory_space<hbm>> -> memref<10000xi32, #tpu.memory_space<hbm>>
      tpu.enqueue_dma source(%dma_start3A_79 : memref<10000xi32, #tpu.memory_space<hbm>>) target(%arg10 : memref<10000xi32, #tpu.memory_space<vmem>>) target_semaphore(%run_scoped3A : memref<!tpu.dma_semaphore, #tpu.memory_space<semaphore_mem>>)
      %dma_wait3A_80 = tpu.memref_slice %arg3[%add3A_74] : memref<640000xi32, #tpu.memory_space<hbm>> -> memref<10000xi32, #tpu.memory_space<hbm>>
      %dma_wait3A_81 = tpu.memref_slice %arg3[%add3A_74] : memref<640000xi32, #tpu.memory_space<hbm>> -> memref<10000xi32, #tpu.memory_space<hbm>>
      tpu.wait_dma2 semaphore(%run_scoped3A : memref<!tpu.dma_semaphore, #tpu.memory_space<semaphore_mem>>) src(%dma_wait3A_81 : memref<10000xi32, #tpu.memory_space<hbm>>) dst(%arg10 : memref<10000xi32, #tpu.memory_space<vmem>>)
      tpu.yield
    }) : () -> ()
    "tpu.region"() ({
      %run_scoped3A = tpu.sem_alloc : memref<!tpu.dma_semaphore, #tpu.memory_space<semaphore_mem>>
      %dma_start3A_78 = tpu.memref_slice %arg4[%add3A_74] : memref<640000xi32, #tpu.memory_space<hbm>> -> memref<10000xi32, #tpu.memory_space<hbm>>
      %dma_start3A_79 = tpu.memref_slice %arg4[%add3A_74] : memref<640000xi32, #tpu.memory_space<hbm>> -> memref<10000xi32, #tpu.memory_space<hbm>>
      tpu.enqueue_dma source(%dma_start3A_79 : memref<10000xi32, #tpu.memory_space<hbm>>) target(%arg11 : memref<10000xi32, #tpu.memory_space<vmem>>) target_semaphore(%run_scoped3A : memref<!tpu.dma_semaphore, #tpu.memory_space<semaphore_mem>>)
      %dma_wait3A_80 = tpu.memref_slice %arg4[%add3A_74] : memref<640000xi32, #tpu.memory_space<hbm>> -> memref<10000xi32, #tpu.memory_space<hbm>>
      %dma_wait3A_81 = tpu.memref_slice %arg4[%add3A_74] : memref<640000xi32, #tpu.memory_space<hbm>> -> memref<10000xi32, #tpu.memory_space<hbm>>
      tpu.wait_dma2 semaphore(%run_scoped3A : memref<!tpu.dma_semaphore, #tpu.memory_space<semaphore_mem>>) src(%dma_wait3A_81 : memref<10000xi32, #tpu.memory_space<hbm>>) dst(%arg11 : memref<10000xi32, #tpu.memory_space<vmem>>)
      tpu.yield
    }) : () -> ()
    %parallel_loop3A_75 = arith.constant 0 : i32
    %parallel_loop3A_76 = arith.constant 10000 : i32
    %parallel_loop3A_77 = arith.constant 16 : i32
    scf.for %parallel_loop3A_78 = %parallel_loop3A_75 to %parallel_loop3A_76 step %parallel_loop3A_77  : i32 {
      %parallel_loop3A_79 = arith.index_cast %parallel_loop3A_78 : i32 to index
      %parallel_loop3A_80 = tpu.vector_load %arg10[%parallel_loop3A_79] {strides = array<i32>} : memref<10000xi32, #tpu.memory_space<vmem>>, vector<16xi32>,
      %parallel_loop3A_81 = arith.constant 3 : i32
      %parallel_loop3A_82 = vector.broadcast %parallel_loop3A_81 : i32 to vector<16xi32>
      %parallel_loop3A_83 = arith.muli %parallel_loop3A_80, %parallel_loop3A_82 : vector<16xi32>
      %parallel_loop3A_84 = arith.index_cast %parallel_loop3A_78 : i32 to index
      %parallel_loop3A_85 = tpu.vector_load %arg11[%parallel_loop3A_84] {strides = array<i32>} : memref<10000xi32, #tpu.memory_space<vmem>>, vector<16xi32>,
      %parallel_loop3A_86 = arith.constant 3 : i32
      %parallel_loop3A_87 = vector.broadcast %parallel_loop3A_86 : i32 to vector<16xi32>
      %parallel_loop3A_88 = arith.muli %parallel_loop3A_85, %parallel_loop3A_87 : vector<16xi32>
      %parallel_loop3A_89 = tpu.vector_load_idx %arg9[%parallel_loop3A_88] : memref<30000xf32, #tpu.memory_space<vmem>>[vector<16xi32>], vector<16xf32>,
      %parallel_loop3A_90 = tpu.vector_load_idx %arg9[%parallel_loop3A_83] : memref<30000xf32, #tpu.memory_space<vmem>>[vector<16xi32>], vector<16xf32>,
      %parallel_loop3A_91 = arith.subf %parallel_loop3A_89, %parallel_loop3A_90 : vector<16xf32>
      %parallel_loop3A_92 = arith.constant 1 : i32
      %parallel_loop3A_93 = vector.broadcast %parallel_loop3A_92 : i32 to vector<16xi32>
      %parallel_loop3A_94 = arith.addi %parallel_loop3A_88, %parallel_loop3A_93 : vector<16xi32>
      %parallel_loop3A_95 = tpu.vector_load_idx %arg9[%parallel_loop3A_94] : memref<30000xf32, #tpu.memory_space<vmem>>[vector<16xi32>], vector<16xf32>,
      %parallel_loop3A_96 = arith.constant 1 : i32
      %parallel_loop3A_97 = vector.broadcast %parallel_loop3A_96 : i32 to vector<16xi32>
      %parallel_loop3A_98 = arith.addi %parallel_loop3A_83, %parallel_loop3A_97 : vector<16xi32>
      %parallel_loop3A_99 = tpu.vector_load_idx %arg9[%parallel_loop3A_98] : memref<30000xf32, #tpu.memory_space<vmem>>[vector<16xi32>], vector<16xf32>,
      %parallel_loop3A_100 = arith.subf %parallel_loop3A_95, %parallel_loop3A_99 : vector<16xf32>
      %parallel_loop3A_101 = arith.constant 2 : i32
      %parallel_loop3A_102 = vector.broadcast %parallel_loop3A_101 : i32 to vector<16xi32>
      %parallel_loop3A_103 = arith.addi %parallel_loop3A_88, %parallel_loop3A_102 : vector<16xi32>
      %parallel_loop3A_104 = tpu.vector_load_idx %arg9[%parallel_loop3A_103] : memref<30000xf32, #tpu.memory_space<vmem>>[vector<16xi32>], vector<16xf32>,
      %parallel_loop3A_105 = arith.constant 2 : i32
      %parallel_loop3A_106 = vector.broadcast %parallel_loop3A_105 : i32 to vector<16xi32>
      %parallel_loop3A_107 = arith.addi %parallel_loop3A_83, %parallel_loop3A_106 : vector<16xi32>
      %parallel_loop3A_108 = tpu.vector_load_idx %arg9[%parallel_loop3A_107] : memref<30000xf32, #tpu.memory_space<vmem>>[vector<16xi32>], vector<16xf32>,
      %parallel_loop3A_109 = arith.subf %parallel_loop3A_104, %parallel_loop3A_108 : vector<16xf32>
      %parallel_loop3A_110 = arith.mulf %parallel_loop3A_91, %parallel_loop3A_91 : vector<16xf32>
      %parallel_loop3A_111 = arith.mulf %parallel_loop3A_100, %parallel_loop3A_100 : vector<16xf32>
      %parallel_loop3A_112 = arith.addf %parallel_loop3A_110, %parallel_loop3A_111 : vector<16xf32>
      %parallel_loop3A_113 = arith.mulf %parallel_loop3A_109, %parallel_loop3A_109 : vector<16xf32>
      %parallel_loop3A_114 = arith.addf %parallel_loop3A_112, %parallel_loop3A_113 : vector<16xf32>
      %parallel_loop3A_115 = arith.index_cast %parallel_loop3A_78 : i32 to index
      %parallel_loop3A_116 = tpu.vector_load %arg12[%parallel_loop3A_115] {strides = array<i32>} : memref<10000xf32, #tpu.memory_space<vmem>>, vector<16xf32>,
      tpu.vector_store %arg12[%parallel_loop3A_115], %parallel_loop3A_114 {strides = array<i32>} : memref<10000xf32, #tpu.memory_space<vmem>>, vector<16xf32>,
    } {sc.loop_unroll_factor = 4 : i64, sc.parallel_access}
    "tpu.region"() ({
      %run_scoped3A = tpu.sem_alloc : memref<!tpu.dma_semaphore, #tpu.memory_space<semaphore_mem>>
      %dma_start3A_78 = tpu.memref_slice %arg7[%add3A_74] : memref<640000xf32, #tpu.memory_space<hbm>> -> memref<10000xf32, #tpu.memory_space<hbm>>
      %dma_start3A_79 = tpu.memref_slice %arg7[%add3A_74] : memref<640000xf32, #tpu.memory_space<hbm>> -> memref<10000xf32, #tpu.memory_space<hbm>>
      tpu.enqueue_dma source(%arg12 : memref<10000xf32, #tpu.memory_space<vmem>>) target(%dma_start3A_79 : memref<10000xf32, #tpu.memory_space<hbm>>) target_semaphore(%run_scoped3A : memref<!tpu.dma_semaphore, #tpu.memory_space<semaphore_mem>>)
      %dma_wait3A_80 = tpu.memref_slice %arg7[%add3A_74] : memref<640000xf32, #tpu.memory_space<hbm>> -> memref<10000xf32, #tpu.memory_space<hbm>>
      %dma_wait3A_81 = tpu.memref_slice %arg7[%add3A_74] : memref<640000xf32, #tpu.memory_space<hbm>> -> memref<10000xf32, #tpu.memory_space<hbm>>
      tpu.wait_dma2 semaphore(%run_scoped3A : memref<!tpu.dma_semaphore, #tpu.memory_space<semaphore_mem>>) src(%arg12 : memref<10000xf32, #tpu.memory_space<vmem>>) dst(%dma_wait3A_81 : memref<10000xf32, #tpu.memory_space<hbm>>)
      tpu.yield
    }) : () -> ()
    return
  }
}

module attributes {stable_mosaic.version = 14 : i64} {
  func.func @body(%arg0: i32, %arg1: memref<40x128xf32, #tpu.memory_space<vmem>>, %arg2: memref<40x128xf32, #tpu.memory_space<vmem>>, %arg3: memref<40x128xf32, #tpu.memory_space<vmem>>, %arg4: memref<40x128xf32, #tpu.memory_space<vmem>>) attributes {dimension_semantics = [#tpu.dimension_semantics<arbitrary>], iteration_bounds = array<i64: 125>, scalar_prefetch = 0 : i64, scratch_operands = 0 : i64, tpu.core_type = #tpu.core_type<tc>, window_params = [{transform_indices = @transform_0, window_bounds = array<i64: 40, 128>}, {transform_indices = @transform_1, window_bounds = array<i64: 40, 128>}, {transform_indices = @transform_2, window_bounds = array<i64: 40, 128>}, {transform_indices = @transform_3, window_bounds = array<i64: 40, 128>}]} {
    %get3A = arith.constant 0 : index
    %get3A_0 = arith.constant 0 : index
    %get3A_1 = vector.load %arg1[%get3A, %get3A_0] : memref<40x128xf32, #tpu.memory_space<vmem>>, vector<40x128xf32>
    %sqrt3A = math.sqrt %get3A_1 : vector<40x128xf32>
    %swap3A = arith.constant 0 : index
    %swap3A_2 = arith.constant 0 : index
    %swap3A_3 = vector.load %arg2[%swap3A, %swap3A_2] : memref<40x128xf32, #tpu.memory_space<vmem>>, vector<40x128xf32>
    tpu.vector_store %arg2[%swap3A, %swap3A_2], %sqrt3A {strides = array<i32>} : memref<40x128xf32, #tpu.memory_space<vmem>>, vector<40x128xf32>,
    %mul3A = arith.constant 1.250000e-01 : f32
    %mul3A_4 = vector.broadcast %mul3A : f32 to vector<40x128xf32>
    %mul3A_5 = arith.mulf %sqrt3A, %mul3A_4 : vector<40x128xf32>
    %mul3A_6 = arith.mulf %mul3A_5, %mul3A_5 : vector<40x128xf32>
    %mul3A_7 = arith.mulf %mul3A_6, %mul3A_5 : vector<40x128xf32>
    %mul3A_8 = arith.constant 1.000000e+01 : f32
    %mul3A_9 = vector.broadcast %mul3A_8 : f32 to vector<40x128xf32>
    %mul3A_10 = arith.mulf %mul3A_9, %mul3A_7 : vector<40x128xf32>
    %sub3A = arith.constant 1.000000e+00 : f32
    %sub3A_11 = vector.broadcast %sub3A : f32 to vector<40x128xf32>
    %sub3A_12 = arith.subf %sub3A_11, %mul3A_10 : vector<40x128xf32>
    %mul3A_13 = arith.constant 1.500000e+01 : f32
    %mul3A_14 = vector.broadcast %mul3A_13 : f32 to vector<40x128xf32>
    %mul3A_15 = arith.mulf %mul3A_14, %mul3A_7 : vector<40x128xf32>
    %mul3A_16 = arith.mulf %mul3A_15, %mul3A_5 : vector<40x128xf32>
    %add3A = arith.addf %sub3A_12, %mul3A_16 : vector<40x128xf32>
    %mul3A_17 = arith.constant 6.000000e+00 : f32
    %mul3A_18 = vector.broadcast %mul3A_17 : f32 to vector<40x128xf32>
    %mul3A_19 = arith.mulf %mul3A_18, %mul3A_7 : vector<40x128xf32>
    %mul3A_20 = arith.mulf %mul3A_19, %mul3A_5 : vector<40x128xf32>
    %mul3A_21 = arith.mulf %mul3A_20, %mul3A_5 : vector<40x128xf32>
    %sub3A_22 = arith.subf %add3A, %mul3A_21 : vector<40x128xf32>
    %lt3A = arith.constant 8.000000e+00 : f32
    %lt3A_23 = vector.broadcast %lt3A : f32 to vector<40x128xf32>
    %lt3A_24 = arith.cmpf olt, %sqrt3A, %lt3A_23 : vector<40x128xf32>
    %jit3A = arith.constant 0.000000e+00 : f32
    %broadcast_in_dim3A = vector.broadcast %jit3A : f32 to vector<40x128xf32>
    %select_n3A = arith.select %lt3A_24, %sub3A_22, %broadcast_in_dim3A : vector<40x128xi1>, vector<40x128xf32>
    %swap3A_25 = arith.constant 0 : index
    %swap3A_26 = arith.constant 0 : index
    %swap3A_27 = vector.load %arg3[%swap3A_25, %swap3A_26] : memref<40x128xf32, #tpu.memory_space<vmem>>, vector<40x128xf32>
    tpu.vector_store %arg3[%swap3A_25, %swap3A_26], %select_n3A {strides = array<i32>} : memref<40x128xf32, #tpu.memory_space<vmem>>, vector<40x128xf32>,
    %neg3A = arith.constant 0.000000e+00 : f32
    %neg3A_28 = vector.broadcast %neg3A : f32 to vector<40x128xf32>
    %neg3A_29 = arith.subf %neg3A_28, %sqrt3A : vector<40x128xf32>
    %exp3A = math.exp %neg3A_29 : vector<40x128xf32>
    %swap3A_30 = arith.constant 0 : index
    %swap3A_31 = arith.constant 0 : index
    %swap3A_32 = vector.load %arg4[%swap3A_30, %swap3A_31] : memref<40x128xf32, #tpu.memory_space<vmem>>, vector<40x128xf32>
    tpu.vector_store %arg4[%swap3A_30, %swap3A_31], %exp3A {strides = array<i32>} : memref<40x128xf32, #tpu.memory_space<vmem>>, vector<40x128xf32>,
    return
  }
  func.func @transform_0(%arg0: i32) -> (i32, i32) {
    %c0_i32 = arith.constant 0 : i32
    %c0_i32_0 = arith.constant 0 : i32
    return %arg0, %c0_i32 : i32, i32
  }
  func.func @transform_1(%arg0: i32) -> (i32, i32) {
    %c0_i32 = arith.constant 0 : i32
    %c0_i32_0 = arith.constant 0 : i32
    return %arg0, %c0_i32 : i32, i32
  }
  func.func @transform_2(%arg0: i32) -> (i32, i32) {
    %c0_i32 = arith.constant 0 : i32
    %c0_i32_0 = arith.constant 0 : i32
    return %arg0, %c0_i32 : i32, i32
  }
  func.func @transform_3(%arg0: i32) -> (i32, i32) {
    %c0_i32 = arith.constant 0 : i32
    %c0_i32_0 = arith.constant 0 : i32
    return %arg0, %c0_i32 : i32, i32
  }
}

module attributes {stable_mosaic.version = 14 : i64} {
  func.func @body(%arg0: i32, %arg1: memref<8x128xf32, #tpu.memory_space<vmem>>, %arg2: memref<1x64xf32, #tpu.memory_space<vmem>>, %arg3: memref<1x64xf32, #tpu.memory_space<vmem>>, %arg4: memref<1024x64xf32, #tpu.memory_space<vmem>>) attributes {dimension_semantics = [#tpu.dimension_semantics<arbitrary>], iteration_bounds = array<i64: 625>, scalar_prefetch = 0 : i64, scratch_operands = 0 : i64, tpu.core_type = #tpu.core_type<tc>, window_params = [{transform_indices = @transform_0, window_bounds = array<i64: 8, 128>}, {pipeline_mode = #tpu.pipeline_mode<synchronous>, transform_indices = @transform_1, window_bounds = array<i64: 1, 64>}, {pipeline_mode = #tpu.pipeline_mode<synchronous>, transform_indices = @transform_2, window_bounds = array<i64: 1, 64>}, {transform_indices = @transform_3, window_bounds = array<i64: 1024, 64>}]} {
    %get3A = arith.constant 0 : index
    %get3A_0 = arith.constant 0 : index
    %get3A_1 = vector.load %arg1[%get3A, %get3A_0] : memref<8x128xf32, #tpu.memory_space<vmem>>, vector<8x128xf32>
    %transpose3A = tpu.transpose %get3A_1, [1, 0] : vector<8x128xf32> -> vector<128x8xf32>
    %get3A_2 = arith.constant 0 : index
    %get3A_3 = arith.constant 0 : index
    %get3A_4 = vector.load %arg2[%get3A_2, %get3A_3] : memref<1x64xf32, #tpu.memory_space<vmem>>, vector<1x64xf32>
    %get3A_5 = arith.constant 0 : index
    %get3A_6 = arith.constant 0 : index
    %get3A_7 = vector.load %arg3[%get3A_5, %get3A_6] : memref<1x64xf32, #tpu.memory_space<vmem>>, vector<1x64xf32>
    %slice3A = vector.extract_strided_slice %transpose3A {offsets = [0, 0], sizes = [128, 1], strides = [1, 1]} : vector<128x8xf32> to vector<128x1xf32>
    %broadcast_in_dim3A = vector.shape_cast %slice3A : vector<128x1xf32> to vector<128x1xf32>
    %broadcast_in_dim3A_8 = vector.broadcast %broadcast_in_dim3A : vector<128x1xf32> to vector<128x64xf32>
    %sub3A = vector.broadcast %get3A_4 : vector<1x64xf32> to vector<128x64xf32>
    %sub3A_9 = arith.subf %broadcast_in_dim3A_8, %sub3A : vector<128x64xf32>
    %mul3A = vector.broadcast %get3A_7 : vector<1x64xf32> to vector<128x64xf32>
    %mul3A_10 = arith.mulf %mul3A, %sub3A_9 : vector<128x64xf32>
    %mul3A_11 = arith.mulf %mul3A_10, %sub3A_9 : vector<128x64xf32>
    %exp3A = math.exp %mul3A_11 : vector<128x64xf32>
    %swap3A = arith.constant 0 : index
    %swap3A_12 = arith.constant 0 : index
    %swap3A_13 = vector.load %arg4[%swap3A, %swap3A_12] : memref<1024x64xf32, #tpu.memory_space<vmem>>, vector<128x64xf32>
    tpu.vector_store %arg4[%swap3A, %swap3A_12], %exp3A {strides = array<i32>} : memref<1024x64xf32, #tpu.memory_space<vmem>>, vector<128x64xf32>,
    %slice3A_14 = vector.extract_strided_slice %transpose3A {offsets = [0, 1], sizes = [128, 1], strides = [1, 1]} : vector<128x8xf32> to vector<128x1xf32>
    %broadcast_in_dim3A_15 = vector.shape_cast %slice3A_14 : vector<128x1xf32> to vector<128x1xf32>
    %broadcast_in_dim3A_16 = vector.broadcast %broadcast_in_dim3A_15 : vector<128x1xf32> to vector<128x64xf32>
    %sub3A_17 = vector.broadcast %get3A_4 : vector<1x64xf32> to vector<128x64xf32>
    %sub3A_18 = arith.subf %broadcast_in_dim3A_16, %sub3A_17 : vector<128x64xf32>
    %mul3A_19 = vector.broadcast %get3A_7 : vector<1x64xf32> to vector<128x64xf32>
    %mul3A_20 = arith.mulf %mul3A_19, %sub3A_18 : vector<128x64xf32>
    %mul3A_21 = arith.mulf %mul3A_20, %sub3A_18 : vector<128x64xf32>
    %exp3A_22 = math.exp %mul3A_21 : vector<128x64xf32>
    %swap3A_23 = arith.constant 128 : index
    %swap3A_24 = arith.constant 0 : index
    %swap3A_25 = vector.load %arg4[%swap3A_23, %swap3A_24] : memref<1024x64xf32, #tpu.memory_space<vmem>>, vector<128x64xf32>
    tpu.vector_store %arg4[%swap3A_23, %swap3A_24], %exp3A_22 {strides = array<i32>} : memref<1024x64xf32, #tpu.memory_space<vmem>>, vector<128x64xf32>,
    %slice3A_26 = vector.extract_strided_slice %transpose3A {offsets = [0, 2], sizes = [128, 1], strides = [1, 1]} : vector<128x8xf32> to vector<128x1xf32>
    %broadcast_in_dim3A_27 = vector.shape_cast %slice3A_26 : vector<128x1xf32> to vector<128x1xf32>
    %broadcast_in_dim3A_28 = vector.broadcast %broadcast_in_dim3A_27 : vector<128x1xf32> to vector<128x64xf32>
    %sub3A_29 = vector.broadcast %get3A_4 : vector<1x64xf32> to vector<128x64xf32>
    %sub3A_30 = arith.subf %broadcast_in_dim3A_28, %sub3A_29 : vector<128x64xf32>
    %mul3A_31 = vector.broadcast %get3A_7 : vector<1x64xf32> to vector<128x64xf32>
    %mul3A_32 = arith.mulf %mul3A_31, %sub3A_30 : vector<128x64xf32>
    %mul3A_33 = arith.mulf %mul3A_32, %sub3A_30 : vector<128x64xf32>
    %exp3A_34 = math.exp %mul3A_33 : vector<128x64xf32>
    %swap3A_35 = arith.constant 256 : index
    %swap3A_36 = arith.constant 0 : index
    %swap3A_37 = vector.load %arg4[%swap3A_35, %swap3A_36] : memref<1024x64xf32, #tpu.memory_space<vmem>>, vector<128x64xf32>
    tpu.vector_store %arg4[%swap3A_35, %swap3A_36], %exp3A_34 {strides = array<i32>} : memref<1024x64xf32, #tpu.memory_space<vmem>>, vector<128x64xf32>,
    %slice3A_38 = vector.extract_strided_slice %transpose3A {offsets = [0, 3], sizes = [128, 1], strides = [1, 1]} : vector<128x8xf32> to vector<128x1xf32>
    %broadcast_in_dim3A_39 = vector.shape_cast %slice3A_38 : vector<128x1xf32> to vector<128x1xf32>
    %broadcast_in_dim3A_40 = vector.broadcast %broadcast_in_dim3A_39 : vector<128x1xf32> to vector<128x64xf32>
    %sub3A_41 = vector.broadcast %get3A_4 : vector<1x64xf32> to vector<128x64xf32>
    %sub3A_42 = arith.subf %broadcast_in_dim3A_40, %sub3A_41 : vector<128x64xf32>
    %mul3A_43 = vector.broadcast %get3A_7 : vector<1x64xf32> to vector<128x64xf32>
    %mul3A_44 = arith.mulf %mul3A_43, %sub3A_42 : vector<128x64xf32>
    %mul3A_45 = arith.mulf %mul3A_44, %sub3A_42 : vector<128x64xf32>
    %exp3A_46 = math.exp %mul3A_45 : vector<128x64xf32>
    %swap3A_47 = arith.constant 384 : index
    %swap3A_48 = arith.constant 0 : index
    %swap3A_49 = vector.load %arg4[%swap3A_47, %swap3A_48] : memref<1024x64xf32, #tpu.memory_space<vmem>>, vector<128x64xf32>
    tpu.vector_store %arg4[%swap3A_47, %swap3A_48], %exp3A_46 {strides = array<i32>} : memref<1024x64xf32, #tpu.memory_space<vmem>>, vector<128x64xf32>,
    %slice3A_50 = vector.extract_strided_slice %transpose3A {offsets = [0, 4], sizes = [128, 1], strides = [1, 1]} : vector<128x8xf32> to vector<128x1xf32>
    %broadcast_in_dim3A_51 = vector.shape_cast %slice3A_50 : vector<128x1xf32> to vector<128x1xf32>
    %broadcast_in_dim3A_52 = vector.broadcast %broadcast_in_dim3A_51 : vector<128x1xf32> to vector<128x64xf32>
    %sub3A_53 = vector.broadcast %get3A_4 : vector<1x64xf32> to vector<128x64xf32>
    %sub3A_54 = arith.subf %broadcast_in_dim3A_52, %sub3A_53 : vector<128x64xf32>
    %mul3A_55 = vector.broadcast %get3A_7 : vector<1x64xf32> to vector<128x64xf32>
    %mul3A_56 = arith.mulf %mul3A_55, %sub3A_54 : vector<128x64xf32>
    %mul3A_57 = arith.mulf %mul3A_56, %sub3A_54 : vector<128x64xf32>
    %exp3A_58 = math.exp %mul3A_57 : vector<128x64xf32>
    %swap3A_59 = arith.constant 512 : index
    %swap3A_60 = arith.constant 0 : index
    %swap3A_61 = vector.load %arg4[%swap3A_59, %swap3A_60] : memref<1024x64xf32, #tpu.memory_space<vmem>>, vector<128x64xf32>
    tpu.vector_store %arg4[%swap3A_59, %swap3A_60], %exp3A_58 {strides = array<i32>} : memref<1024x64xf32, #tpu.memory_space<vmem>>, vector<128x64xf32>,
    %slice3A_62 = vector.extract_strided_slice %transpose3A {offsets = [0, 5], sizes = [128, 1], strides = [1, 1]} : vector<128x8xf32> to vector<128x1xf32>
    %broadcast_in_dim3A_63 = vector.shape_cast %slice3A_62 : vector<128x1xf32> to vector<128x1xf32>
    %broadcast_in_dim3A_64 = vector.broadcast %broadcast_in_dim3A_63 : vector<128x1xf32> to vector<128x64xf32>
    %sub3A_65 = vector.broadcast %get3A_4 : vector<1x64xf32> to vector<128x64xf32>
    %sub3A_66 = arith.subf %broadcast_in_dim3A_64, %sub3A_65 : vector<128x64xf32>
    %mul3A_67 = vector.broadcast %get3A_7 : vector<1x64xf32> to vector<128x64xf32>
    %mul3A_68 = arith.mulf %mul3A_67, %sub3A_66 : vector<128x64xf32>
    %mul3A_69 = arith.mulf %mul3A_68, %sub3A_66 : vector<128x64xf32>
    %exp3A_70 = math.exp %mul3A_69 : vector<128x64xf32>
    %swap3A_71 = arith.constant 640 : index
    %swap3A_72 = arith.constant 0 : index
    %swap3A_73 = vector.load %arg4[%swap3A_71, %swap3A_72] : memref<1024x64xf32, #tpu.memory_space<vmem>>, vector<128x64xf32>
    tpu.vector_store %arg4[%swap3A_71, %swap3A_72], %exp3A_70 {strides = array<i32>} : memref<1024x64xf32, #tpu.memory_space<vmem>>, vector<128x64xf32>,
    %slice3A_74 = vector.extract_strided_slice %transpose3A {offsets = [0, 6], sizes = [128, 1], strides = [1, 1]} : vector<128x8xf32> to vector<128x1xf32>
    %broadcast_in_dim3A_75 = vector.shape_cast %slice3A_74 : vector<128x1xf32> to vector<128x1xf32>
    %broadcast_in_dim3A_76 = vector.broadcast %broadcast_in_dim3A_75 : vector<128x1xf32> to vector<128x64xf32>
    %sub3A_77 = vector.broadcast %get3A_4 : vector<1x64xf32> to vector<128x64xf32>
    %sub3A_78 = arith.subf %broadcast_in_dim3A_76, %sub3A_77 : vector<128x64xf32>
    %mul3A_79 = vector.broadcast %get3A_7 : vector<1x64xf32> to vector<128x64xf32>
    %mul3A_80 = arith.mulf %mul3A_79, %sub3A_78 : vector<128x64xf32>
    %mul3A_81 = arith.mulf %mul3A_80, %sub3A_78 : vector<128x64xf32>
    %exp3A_82 = math.exp %mul3A_81 : vector<128x64xf32>
    %swap3A_83 = arith.constant 768 : index
    %swap3A_84 = arith.constant 0 : index
    %swap3A_85 = vector.load %arg4[%swap3A_83, %swap3A_84] : memref<1024x64xf32, #tpu.memory_space<vmem>>, vector<128x64xf32>
    tpu.vector_store %arg4[%swap3A_83, %swap3A_84], %exp3A_82 {strides = array<i32>} : memref<1024x64xf32, #tpu.memory_space<vmem>>, vector<128x64xf32>,
    %slice3A_86 = vector.extract_strided_slice %transpose3A {offsets = [0, 7], sizes = [128, 1], strides = [1, 1]} : vector<128x8xf32> to vector<128x1xf32>
    %broadcast_in_dim3A_87 = vector.shape_cast %slice3A_86 : vector<128x1xf32> to vector<128x1xf32>
    %broadcast_in_dim3A_88 = vector.broadcast %broadcast_in_dim3A_87 : vector<128x1xf32> to vector<128x64xf32>
    %sub3A_89 = vector.broadcast %get3A_4 : vector<1x64xf32> to vector<128x64xf32>
    %sub3A_90 = arith.subf %broadcast_in_dim3A_88, %sub3A_89 : vector<128x64xf32>
    %mul3A_91 = vector.broadcast %get3A_7 : vector<1x64xf32> to vector<128x64xf32>
    %mul3A_92 = arith.mulf %mul3A_91, %sub3A_90 : vector<128x64xf32>
    %mul3A_93 = arith.mulf %mul3A_92, %sub3A_90 : vector<128x64xf32>
    %exp3A_94 = math.exp %mul3A_93 : vector<128x64xf32>
    %swap3A_95 = arith.constant 896 : index
    %swap3A_96 = arith.constant 0 : index
    %swap3A_97 = vector.load %arg4[%swap3A_95, %swap3A_96] : memref<1024x64xf32, #tpu.memory_space<vmem>>, vector<128x64xf32>
    tpu.vector_store %arg4[%swap3A_95, %swap3A_96], %exp3A_94 {strides = array<i32>} : memref<1024x64xf32, #tpu.memory_space<vmem>>, vector<128x64xf32>,
    return
  }
  func.func @transform_0(%arg0: i32) -> (i32, i32) {
    %c0_i32 = arith.constant 0 : i32
    %c0_i32_0 = arith.constant 0 : i32
    return %arg0, %c0_i32 : i32, i32
  }
  func.func @transform_1(%arg0: i32) -> (i32, i32) {
    %c0_i32 = arith.constant 0 : i32
    %c0_i32_0 = arith.constant 0 : i32
    %c0_i32_1 = arith.constant 0 : i32
    return %c0_i32, %c0_i32_0 : i32, i32
  }
  func.func @transform_2(%arg0: i32) -> (i32, i32) {
    %c0_i32 = arith.constant 0 : i32
    %c0_i32_0 = arith.constant 0 : i32
    %c0_i32_1 = arith.constant 0 : i32
    return %c0_i32, %c0_i32_0 : i32, i32
  }
  func.func @transform_3(%arg0: i32) -> (i32, i32) {
    %c0_i32 = arith.constant 0 : i32
    %c0_i32_0 = arith.constant 0 : i32
    return %arg0, %c0_i32 : i32, i32
  }
}

</mosaic_0001>

<sc_bundles>
// kernel: kernel.5.cloned.1.call-start
scs
__scs_entry_jumppad:
0x0: {  	(pc) =	sbr.rel $0x88, $3  }
0x1: {  	(tag) =	ssettag $0x0;
	lr =	simm.s32 $0x1  }
0x2: {  	[smem:$0x3F9A] =	sst lr;
	_ =	strace $0xD0000000  }
0x3: {  	_ = 	snop  }
0x4: {  	_ = 	snop  }
0x5: {  	_ = 	snop  }
0x6: {  	_ = 	snop  }
0x7: {  	_ = 	snop  }
__scs_overlays_trampoline_lowered:
0x8: {  	[smem:$0x3FA9] =	sst s0  }
0x9: {  	[smem:$0x3FAA] =	sst s1  }
0xa: {  	[smem:$0x3FAB] =	sst s2  }
0xb: {  	[smem:$0x3FAC] =	sst s3  }
0xc: {  	[smem:$0x3FAD] =	sst s4  }
0xd: {  	[smem:$0x3FAE] =	sst s5  }
0xe: {  	[smem:$0x3FAF] =	sst s6  }
0xf: {  	[smem:$0x3FB0] =	sst s7  }
0x10: {  	[smem:$0x3FB1] =	sst s8  }
0x11: {  	[smem:$0x3FB2] =	sst s9;
	s0 =	simm.s32 @!p0 $0x0  }
0x12: {  	s1 =	sld [smem:$0x3F98];
	s0 =	simm.s32 @p0 $0x1  }
0x13: {  	[smem:$0x3FB3] =	sst s0;
	s0 =	simm.s32 @!p1 $0x0  }
0x14: {  	s2 =	sld [smem:$0x3F97];
	s0 =	simm.s32 @p1 $0x1  }
0x15: {  	[smem:$0x3FB4] =	sst s0;
	s0 =	simm.s32 @!p2 $0x0  }
0x16: {  	s3 =	sld [smem:$0x3FDB];
	s0 =	simm.s32 @p2 $0x1  }
0x17: {  	s4 =	simm.s32 $0x1BF5;
	[smem:$0x3FB6] =	sst s0  }
0x18: {  	s0 =	sld [smem:$0x3F99];
	_ =	swait.ge [sflag:s4], $0x0  }
0x19: {  	s7 =	sld [smem:$0x3F9A]  }
0x1a: {  	s8 =	sadd.s32 $0xFFFFE003, lr  }
0x1b: {  	s9 =	sadd.s32 $0xFFFFFEF7, lr;
	s5 =	simm.s32 $0xFFFFFFFF;
	p2 =	slt.u32 s8, $0xFFFFF086  }
0x1c: {  	p1 =	slt.u32 s9, $0xF7A;
	s5 =	simm.s32 @!p2 $0x0  }
0x1d: {  	s5 =	simm.s32 @p1 $0x1;
	p0 =	seq.s32 s7, s2  }
0x1e: {  	s7 =	smul.u32 @!p0 $0xF7A, s2;
	p2 =	seq.s32 @!p0 s5, $0x0  }
0x1f: {  	s9 =	smul.u32 $0xF7A, s1;
	s8 =	simm.s32 @!p0 $0x1BF5;
	p2 =	por !p2, p0  }
0x20: {  	[sflag:s8] =	ssyncset.s32 @!p0 $0xFFFFF086;
	s6 =	sadd.s32 @!p0 s3, s7;
	s7 =	simm.s32 @!p0 $0x108  }
0x21: {  	s3 =	sadd.s32 s3, s9;
	s6 =	sadd.s32 @!p0 $0x88, s6;
	s7 =	simm.s32 @p2 $0x1082  }
0x22: {  	[simem:s7], [sflag:s8] =	dma.local @!p0 [hbm:s6], $0xF7A  }
0x23: {  	s9 =	sor.u32 $0xD0000000, s2;
	s6 =	simm.s32 $0x108;
	_ =	swait.ge @!p0 [sflag:s8], $0x0  }
0x24: {  	s3 =	sadd.s32 $0x88, s3;
	s6 =	simm.s32 @!p1 $0x1082;
	[sflag:s4] =	ssyncset.s32 $0xFFFFF086  }
0x25: {  	[simem:s6], [sflag:s4] =	dma.local [hbm:s3], $0xF7A  }
0x26: {  	[smem:$0x3F9A] =	sst s1;
	(tag) =	ssettag s2;
	_ =	strace s9  }
0x27: {  	s1 =	sld [smem:$0x3FAA]  }
0x28: {  	s2 =	sld [smem:$0x3FAB]  }
0x29: {  	s4 =	sld [smem:$0x3FAD]  }
0x2a: {  	p0 =	seq.s32 s5, $0x0;
	s5 =	sld [smem:$0x3FAE]  }
0x2b: {  	s6 =	sld [smem:$0x3FAF]  }
0x2c: {  	s7 =	sld [smem:$0x3FB0]  }
0x2d: {  	s3 =	simm.s32 $0x108;
	s8 =	sld [smem:$0x3FB1]  }
0x2e: {  	s3 =	simm.s32 @!p0 $0x1082;
	s9 =	sld [smem:$0x3FB2]  }
0x2f: {  	lr =	sadd.s32 s0, s3;
	s0 =	sld [smem:$0x3FA9]  }
0x30: {  	s3 =	sld [smem:$0x3FAC]  }
0x31: {  	[smem:$0x3FB5] =	sst s10  }
0x32: {  	s10 =	sld [smem:$0x3FB3];
	_ =	sdelay $0x3  }
0x33: {  	p0 =	seq.s32 s10, $0x1;
	s10 =	sld [smem:$0x3FB5];
	_ =	sdelay $0x3  }
0x34: {  	[smem:$0x3FB5] =	sst s10  }
0x35: {  	s10 =	sld [smem:$0x3FB4];
	_ =	sdelay $0x3  }
0x36: {  	p1 =	seq.s32 s10, $0x1;
	s10 =	sld [smem:$0x3FB5];
	_ =	sdelay $0x3  }
0x37: {  	[smem:$0x3FB5] =	sst s10  }
0x38: {  	s10 =	sld [smem:$0x3FB6]  }
0x39: {  	_ = 	snop;
	(pc) =	sbr.ind lr, $3  }
0x3a: {  	_ = 	snop  }
0x3b: {  	_ = 	snop  }
0x3c: {  	p2 =	seq.s32 s10, $0x1;
	s10 =	sld [smem:$0x3FB5]  }
0x3d: {  	_ =	shalt  }
0x3e: {  	_ =	shalt  }
0x3f: {  	_ =	shalt  }
0x40: {  	_ =	shalt  }
0x41: {  	_ =	shalt  }
0x42: {  	_ =	shalt  }
0x43: {  	_ =	shalt  }
0x44: {  	_ =	shalt  }
0x45: {  	_ =	shalt  }
0x46: {  	_ =	shalt  }
0x47: {  	_ =	shalt  }
0x48: {  	_ =	shalt  }
0x49: {  	_ =	shalt  }
0x4a: {  	_ =	shalt  }
0x4b: {  	_ =	shalt  }
0x4c: {  	_ =	shalt  }
0x4d: {  	_ =	shalt  }
0x4e: {  	_ =	shalt  }
0x4f: {  	_ =	shalt  }
0x50: {  	_ =	shalt  }
0x51: {  	_ =	shalt  }
0x52: {  	_ =	shalt  }
0x53: {  	_ =	shalt  }
0x54: {  	_ =	shalt  }
0x55: {  	_ =	shalt  }
0x56: {  	_ =	shalt  }
0x57: {  	_ =	shalt  }
0x58: {  	_ =	shalt  }
0x59: {  	_ =	shalt  }
0x5a: {  	_ =	shalt  }
0x5b: {  	_ =	shalt  }
0x5c: {  	_ =	shalt  }
0x5d: {  	_ =	shalt  }
0x5e: {  	_ =	shalt  }
0x5f: {  	_ =	shalt  }
0x60: {  	_ =	shalt  }
0x61: {  	_ =	shalt  }
0x62: {  	_ =	shalt  }
0x63: {  	_ =	shalt  }
0x64: {  	_ =	shalt  }
0x65: {  	_ =	shalt  }
0x66: {  	_ =	shalt  }
0x67: {  	_ =	shalt  }
0x68: {  	_ =	shalt  }
0x69: {  	_ =	shalt  }
0x6a: {  	_ =	shalt  }
0x6b: {  	_ =	shalt  }
0x6c: {  	_ =	shalt  }
0x6d: {  	_ =	shalt  }
0x6e: {  	_ =	shalt  }
0x6f: {  	_ =	shalt  }
0x70: {  	_ =	shalt  }
0x71: {  	_ =	shalt  }
0x72: {  	_ =	shalt  }
0x73: {  	_ =	shalt  }
0x74: {  	_ =	shalt  }
0x75: {  	_ =	shalt  }
0x76: {  	_ =	shalt  }
0x77: {  	_ =	shalt  }
0x78: {  	_ =	shalt  }
0x79: {  	_ =	shalt  }
0x7a: {  	_ =	shalt  }
0x7b: {  	_ =	shalt  }
0x7c: {  	_ =	shalt  }
0x7d: {  	_ =	shalt  }
0x7e: {  	_ =	shalt  }
0x7f: {  	_ =	shalt  }
0x80: {  	_ =	shalt  }
0x81: {  	_ =	shalt  }
0x82: {  	_ =	shalt  }
0x83: {  	_ =	shalt  }
0x84: {  	_ =	shalt  }
0x85: {  	_ =	shalt  }
0x86: {  	_ =	shalt  }
0x87: {  	_ =	shalt  }
.Lfunc_end0:
.L_simem_size_0:
called_computation_lowered:
.L_overlay_start_0:
0x88: {  	s2 =	sld [smem:$0x3FD9]  }
0x89: {  	s3 =	sld [smem:$0x3FFE];
	_ =	sdelay $0x1  }
0x8a: {  	s1 =	srdreg.scid  }
0x8b: {  	s0 =	sand.u32 $0x1, s1  }
0x8c: {  	s15 =	sshll.u32 s0, $0xA;
	s2 =	sadd.s32 s3, s2  }
0x8d: {  	s2 =	sadd.s32 s2, s15  }
0x8e: {  	[smem:$0x3FC1] =	sst s2  }
0x8f: {  	_ = 	snop  }
0x90: {  	s2 =	sld [smem:$0x3FD0]  }
0x91: {  	s16 =	sld [smem:$0x3FC7]  }
0x92: {  	s4 =	sld [smem:$0x3FC6]  }
0x93: {  	s6 =	simm.s32 $0xA;
	s7 =	simm.s32 $0x10;
	s5 =	sld [smem:$0x3FC5]  }
0x94: {  	[smem:s7], [sflag:s6] =	dma.local [hbm:s2], $0x1  }
0x95: {  	_ =	swait.eq [sflag:s6], $0x1  }
0x96: {  	s17 =	sld [smem:$0x10]  }
0x97: {  	s18 =	sld [smem:$0x11];
	[sflag:s6] =	ssyncset.done $0x0  }
0x98: {  	s8 =	sld [smem:$0x12];
	[sflag:s6] =	ssyncadd.s32 $0xFFFFFFFF  }
0x99: {  	s19 =	sld [smem:$0x13];
	(tm) =	ssettm $0x1  }
0x9a: {  	s9 =	sld [smem:$0x3FFB];
	_ =	sdelay $0x3  }
0x9b: {  	_ =	strace s9  }
0x9c: {  	s9 =	sld [smem:$0x3FFC];
	_ =	sdelay $0x3  }
0x9d: {  	_ =	strace s9  }
0x9e: {  	s9 =	sld [smem:$0x3FFD];
	_ =	sdelay $0x3  }
0x9f: {  	_ =	strace s9  }
0xa0: {  	_ =	strace $0x8FFFFFFF  }
0xa1: {  	s20 =	sld [smem:$0x3FDB];
	_ =	sdelay $0x1  }
0xa2: {  	s10 =	simm.s32 $_scs_section_size  }
0xa3: {  	s11 =	simm.s32 $_size__tile_overlayer_lowered;
	s12 =	simm.s32 $_tile_overlayer_lowered  }
0xa4: {  	s23 =	simm.s32 $0x1BFF;
	s22 =	sshll.u32 s12, $0x1;
	s9 =	sadd.s32 s10, s20  }
0xa5: {  	s13 =	simm.s32 $0x0;
	s21 =	sshll.u32 s11, $0x1;
	s11 =	sadd.s32 s22, s9  }
0xa6: {  	[timem:s13], [sflag:s23] =	dma.local [hbm:s11], s21  }
0xa7: {  	_ =	swait.ge [sflag:s23], s21  }
0xa8: {  	s10 =	ssub.s32 $0x0, s21;
	[sflag:s23] =	ssyncset.done $0x0  }
0xa9: {  	[sflag:s23] =	ssyncadd.s32 s10;
	_ =	sdelay $0x1  }
0xaa: {  	s24 =	simm.s32 $0x1B8B  }
0xab: {  	_ =	swait.ge [sflag:s24], $0x1  }
0xac: {  	[sflag:s24] =	ssyncset.done $0x0  }
0xad: {  	s25 =	simm.s32 $0x1B8E;
	[sflag:s24] =	ssyncadd.s32 $0xFFFFFFFF  }
0xae: {  	s26 =	simm.s32 $execute0_lowered;
	[smem:$0x3FD2] =	sst s25  }
0xaf: {  	s10 =	sshll.u32 s26, $0x1;
	_ =	strace $0x80000046;
	[dreg:$0x1] =	wrdreg $0xFFFFFFFF  }
0xb0: {  	s28 =	simm.s32 $_size_execute0_lowered;
	s9 =	sadd.s32 s9, s10;
	[dreg:$0x0] =	wrdreg $0x0  }
0xb1: {  	s10 =	sshll.u32 s28, $0x1;
	[dreg:$0x2] =	wrdreg s9  }
0xb2: {  	[dreg:$0x3] =	wrdreg s10  }
0xb3: {  	[dreg:$0x4] =	wrdreg $0xC0  }
0xb4: {  	_ =	task [dreg:s13], $0x5FFFF  }
0xb5: {  	[dreg:$0x1] =	wrdreg $0xFFFFFFFF  }
0xb6: {  	[dreg:$0x0] =	wrdreg $0x60  }
0xb7: {  	[dreg:$0x2] =	wrdreg s18  }
0xb8: {  	[dreg:$0x3] =	wrdreg s16  }
0xb9: {  	[dreg:$0x4] =	wrdreg s4  }
0xba: {  	[dreg:$0x5] =	wrdreg s17  }
0xbb: {  	[dreg:$0x6] =	wrdreg s5  }
0xbc: {  	[dreg:$0x7] =	wrdreg s8  }
0xbd: {  	[dreg:$0x8] =	wrdreg s19  }
0xbe: {  	[dreg:$0x9] =	wrdreg $0x9  }
0xbf: {  	_ =	task.clear_ibuf [dreg:s13], $0xAFFFF;
	_ =	strace $0x90000046  }
0xc0: {  	s29 =	simm.s32 $0x9;
	_ =	strace $0x80000048  }
0xc1: {  	_ =	swait.ge [sflag:s29], $0x1  }
0xc2: {  	[sflag:s29] =	ssyncadd.s32 $0xFFFFFFFF  }
0xc3: {  	_ =	strace $0x90000048  }
0xc4: {  	_ =	sfence  }
0xc5: {  	s30 =	sld [smem:$0x0];
	_ =	sdelay $0x2  }
0xc6: {  	s31 =	sshll.u32 s1, $0xD;
	s1 =	sshrl.u32 s1, $0x2  }
0xc7: {  	s3 =	sand.u32 $0x4000, s31;
	s1 =	sadd.s32 s1, s30  }
0xc8: {  	s0 =	sor.u32 s3, s0;
	s1 =	sshll.u32 s1, $0x11  }
0xc9: {  	s0 =	sor.u32 s1, s0  }
0xca: {  	s0 =	sadd.s32 $0x8F2B, s0  }
0xcb: {  	[sflag:s0] =	ssyncadd.remote.s32 $0x1  }
0xcc: {  	_ =	sfence.sel $0xFFFF  }
0xcd: {  	[dreg:$0x0] =	wrdreg $0xFFFFFFFF;
	(pc) =	sbr.abs _section_cstart, $3  }
0xce: {  	[dreg:$0x1] =	wrdreg $0xFFFFFFFF  }
0xcf: {  	_ =	task.clear_ibuf [dreg:s13], $0x2FFFF;
	_ =	strace $0x9FFFFFFF  }
0xd0: {  	(tm) =	ssettm $0x7FFFFFFF  }
0xd1: {  	_ =	shalt  }
tec
execute0_lowered:
.L_overlay_start_1:
0x0: {  	(tag) =	ssettag $0x1  }
0x1: {  	s0 =	rddreg [dreg:$0x0]  }
0x2: {  	s1 =	rddreg [dreg:$0x1]  }
0x3: {  	s3 =	rddreg [dreg:$0x2]  }
0x4: {  	s5 =	rddreg [dreg:$0x3]  }
0x5: {  	s2 =	rddreg [dreg:$0x4];
	s4 =	srdreg.scid  }
0x6: {  	s7 =	stileid.u32;
	s12 =	rddreg [dreg:$0x5]  }
0x7: {  	s30 =	rddreg [dreg:$0x6];
	s15 =	simm.s32 $0x2;
	s16 =	simm.s32 $0x50  }
0x8: {  	s17 =	simm.s32 $0xED80;
	s18 =	simm.s32 $0x1;
	s19 =	simm.s32 $0xEC50  }
0x9: {  	s20 =	simm.s32 $0x11580;
	s21 =	simm.s32 $0xECA0;
	s22 =	simm.s32 $0x13D80  }
0xa: {  	s23 =	simm.s32 $0xECF0;
	s6 =	sand.u32 $0x1, s4;
	s26 =	sshll.u32 s7, $0x1  }
0xb: {  	s24 =	simm.s32 $0x16580;
	s25 =	simm.s32 $0x7580;
	s8 =	sor.u32 s6, s26  }
0xc: {  	s28 =	simm.s32 $0xC480;
	s29 =	simm.s32 $0x0;
	s9 =	smul.u32 $0x28, s8  }
0xd: {  	s4 =	simm.s32 $0x0;
	s6 =	ssub.s32 $0x2, s6;
	s10 =	smul.u32 $0x4E20, s8  }
0xe: {  	[smem:$0x7FF] =	sst s4;
	s11 =	sshrl.u32 s6, $0x1;
	s8 =	smul.u32 $0x1400, s8  }
0xf: {  	s26 =	simm.s32 $0x9D00;
	_ =	strace $0x80000047;
	s13 =	ssub.s32 s6, s11  }
0x10: {  	s5 =	sadd.s32 s5, s9;
	s31 =	sshrl.u32 s10, $0x3;
	s6 =	sadd.s32 s30, s8  }
0x11: {  	s13 =	smax.u32 s13, $0x1;
	s7 =	sadd.s32 s1, s31;
	s14 =	sadd.s32 $0x4E2, s31  }
0x12: {  	s8 =	sadd.s32 s3, s31;
	s9 =	sadd.s32 s12, s31;
	s10 =	sadd.s32 s1, s14  }
0x13: {  	s11 =	sadd.s32 s3, s14;
	s12 =	sadd.s32 s12, s14;
	s14 =	simm.s32 $0xEC00  }
.LBB2_1:
0x14: {  	[tilespmem:s14], [sflag:$0x2] =	stream.linear.gather [hbm4b:s5+s4], $0x140, $0x38;
	[tilespmem:$0x18D80] =	vst v63  }
0x15: {  	_ =	swait.ge [sflag:s15], $0x140  }
0x16: {  	[sflag:s15] =	ssyncset.done $0x0  }
0x17: {  	[sflag:s15] =	ssyncadd.s32 $0xFFFFFEC0  }
0x18: {  	[tilespmem:s17], [sflag:$0x1] =	stream.indirect.gather [hbm4b:s2+s16], $0x80, s14, s16, $0xb8;
	[tilespmem:$0x18D80] =	vst v63  }
0x19: {  	_ =	swait.ge [sflag:s18], $0x2800  }
0x1a: {  	[sflag:s18] =	ssyncset.done $0x0  }
0x1b: {  	[sflag:s18] =	ssyncadd.s32 $0xFFFFD800  }
0x1c: {  	[tilespmem:s20], [sflag:$0x1] =	stream.indirect.gather [hbm4b:s2+s16], $0x80, s19, s16, $0xb8;
	[tilespmem:$0x18D80] =	vst v63  }
0x1d: {  	_ =	swait.ge [sflag:s18], $0x2800  }
0x1e: {  	[sflag:s18] =	ssyncset.done $0x0  }
0x1f: {  	[sflag:s18] =	ssyncadd.s32 $0xFFFFD800  }
0x20: {  	[tilespmem:s22], [sflag:$0x1] =	stream.indirect.gather [hbm4b:s2+s16], $0x80, s21, s16, $0xb8;
	[tilespmem:$0x18D80] =	vst v63  }
0x21: {  	_ =	swait.ge [sflag:s18], $0x2800  }
0x22: {  	[sflag:s18] =	ssyncset.done $0x0  }
0x23: {  	[sflag:s18] =	ssyncadd.s32 $0xFFFFD800  }
0x24: {  	[tilespmem:s24], [sflag:$0x1] =	stream.indirect.gather [hbm4b:s2+s16], $0x80, s23, s16, $0xb8;
	[tilespmem:$0x18D80] =	vst v63  }
0x25: {  	_ =	swait.ge [sflag:s18], $0x2800  }
0x26: {  	[sflag:s18] =	ssyncset.done $0x0  }
0x27: {  	[sflag:s18] =	ssyncadd.s32 $0xFFFFD800  }
0x28: {  	[hbm4b:s6+s4] =	stream.linear.scatter [tilespmem:s17], [sflag:$0x2], $0xA000, $0x38;
	[tilespmem:$0x18D80] =	vst v63  }
0x29: {  	_ =	swait.ge [sflag:s15], $0xA000  }
0x2a: {  	[sflag:s15] =	ssyncset.done $0x0  }
0x2b: {  	[sflag:s15] =	ssyncadd.s32 $0xFFFF6000  }
0x2c: {  	[tilespmem:s4], [sflag:$0x2] =	stream.linear.gather [hbm4b:s0+s4], $0x7580, $0x38;
	[tilespmem:$0x18D80] =	vst v63  }
0x2d: {  	_ =	swait.ge [sflag:s15], $0x7580  }
0x2e: {  	[sflag:s15] =	ssyncset.done $0x0  }
0x2f: {  	[sflag:s15] =	ssyncadd.s32 $0xFFFF8A80  }
0x30: {  	[tilespmem:s25], [sflag:$0x2] =	stream.linear.gather [hbm4b:s7+s4], $0x2710, $0x38;
	[tilespmem:$0x18D80] =	vst v63  }
0x31: {  	_ =	swait.ge [sflag:s15], $0x2710  }
0x32: {  	[sflag:s15] =	ssyncset.done $0x0  }
0x33: {  	[sflag:s15] =	ssyncadd.s32 $0xFFFFD8F0  }
0x34: {  	[tilespmem:s26], [sflag:$0x2] =	stream.linear.gather [hbm4b:s8+s4], $0x2710, $0x38;
	[tilespmem:$0x18D80] =	vst v63  }
0x35: {  	_ =	swait.ge [sflag:s15], $0x2710  }
0x36: {  	[sflag:s15] =	ssyncset.done $0x0  }
0x37: {  	s1 =	simm.s32 $0x9D20;
	[sflag:s15] =	ssyncadd.s32 $0xFFFFD8F0  }
0x38: {  	s30 =	simm.s32 $0x75A0;
	v0 =	vld [tilespmem:s1+$0x10]  }
0x39: {  	v1 =	vld [tilespmem:s30+$0x10]  }
0x3a: {  	v4 =	vld [tilespmem:s30+$0xFFFFFFE0]  }
0x3b: {  	v3 =	vld [tilespmem:s1+$0xFFFFFFF0];
	_ =	sdelay $0x1  }
0x3c: {  	v0 =	vmul.u32 $0x3, v0  }
0x3d: {  	v1 =	vmul.u32 $0x3, v1  }
0x3e: {  	v2 =	vld [tilespmem:s1+$0xFFFFFFE0];
	v4 =	vmul.u32 $0x3, v4  }
0x3f: {  	v7 =	vld [tilespmem:s1+$0x0];
	v3 =	vmul.u32 $0x3, v3  }
0x40: {  	v5 =	vld [tilespmem:s30+$0xFFFFFFF0]  }
0x41: {  	v9 =	vld [tilespmem:s30+$0x0];
	v6 =	vadd.s32 $0x1, v0  }
0x42: {  	v8 =	vadd.s32 $0x1, v1;
	v10 =	vadd.s32 $0x2, v0;
	v0 =	vld.idx.msk [tilespmem:v0+s4+$0x0], $0xffff  }
0x43: {  	v2 =	vmul.u32 $0x3, v2;
	v11 =	vadd.s32 $0x2, v1;
	v1 =	vld.idx.msk [tilespmem:v1+s4+$0x0], $0xffff  }
0x44: {  	v14 =	vmul.u32 $0x3, v7;
	v20 =	vld.idx.msk [tilespmem:v4+s4+$0x0], $0xffff  }
0x45: {  	v12 =	vadd.s32 $0x1, v2;
	v7 =	vadd.s32 $0x1, v4;
	v19 =	vadd.s32 $0x2, v4;
	v4 =	vld.idx.msk [tilespmem:v3+s4+$0x0], $0xffff  }
0x46: {  	v5 =	vmul.u32 $0x3, v5;
	v13 =	vadd.s32 $0x1, v3;
	v6 =	vld.idx.msk [tilespmem:v6+s4+$0x0], $0xffff  }
0x47: {  	v16 =	vmul.u32 $0x3, v9;
	v8 =	vld.idx.msk [tilespmem:v8+s4+$0x0], $0xffff  }
0x48: {  	v15 =	vadd.s32 $0x1, v5;
	v9 =	vld.idx.msk [tilespmem:v10+s4+$0x0], $0xffff  }
0x49: {  	v17 =	vadd.s32 $0x1, v16;
	v11 =	vld.idx.msk [tilespmem:v11+s4+$0x0], $0xffff  }
0x4a: {  	v10 =	vadd.s32 $0x1, v14;
	v12 =	vld.idx.msk [tilespmem:v12+s4+$0x0], $0xffff  }
0x4b: {  	v13 =	vld.idx.msk [tilespmem:v13+s4+$0x0], $0xffff  }
0x4c: {  	v18 =	vld.idx.msk [tilespmem:v7+s4+$0x0], $0xffff  }
0x4d: {  	v15 =	vld.idx.msk [tilespmem:v15+s4+$0x0], $0xffff  }
0x4e: {  	v3 =	vadd.s32 $0x2, v3;
	v17 =	vld.idx.msk [tilespmem:v17+s4+$0x0], $0xffff  }
0x4f: {  	v0 =	vsub.f32 v0, v1;
	v10 =	vld.idx.msk [tilespmem:v10+s4+$0x0], $0xffff;
	v1 =	vsub.f32 v6, v8  }
0x50: {  	v8 =	vld.idx.msk [tilespmem:v2+s4+$0x0], $0xffff;
	v2 =	vadd.s32 $0x2, v2  }
0x51: {  	v6 =	vsub.f32 v9, v11;
	v0 =	vmul.f32 v0, v0;
	v1 =	vmul.f32 v1, v1  }
0x52: {  	v7 =	vld.idx.msk [tilespmem:v5+s4+$0x0], $0xffff  }
0x53: {  	v3 =	vld.idx.msk [tilespmem:v3+s4+$0x0], $0xffff;
	v11 =	vmul.f32 v6, v6;
	v1 =	vadd.f32 v1, v0  }
0x54: {  	v12 =	vsub.f32 v12, v18;
	v13 =	vsub.f32 v13, v15;
	v9 =	vld.idx.msk [tilespmem:v16+s4+$0x0], $0xffff  }
0x55: {  	v6 =	vld.idx.msk [tilespmem:v14+s4+$0x0], $0xffff;
	v0 =	vadd.s32 $0x2, v5;
	v17 =	vsub.f32 v10, v17;
	v15 =	vadd.f32 v11, v1  }
0x56: {  	s31 =	simm.s32 $0xC4A0;
	v5 =	vmul.f32 v13, v13;
	v10 =	vld.idx.msk [tilespmem:v2+s4+$0x0], $0xffff;
	v2 =	vadd.s32 $0x2, v16;
	v13 =	vsub.f32 v8, v20  }
0x57: {  	s3 =	simm.s32 $0x0;
	s1 =	simm.s32 $0x9D60;
	v1 =	vadd.s32 $0x2, v14;
	v11 =	vmul.f32 v12, v12;
	v12 =	vld.idx.msk [tilespmem:v19+s4+$0x0], $0xffff;
	v8 =	vmul.f32 v17, v17;
	[tilespmem:s31+$0x10] =	vst v15  }
.LBB2_2:
0x58: {  	v14 =	vld [tilespmem:s1+$0x10];
	v13 =	vmul.f32 v13, v13;
	v4 =	vsub.f32 v4, v7;
	s30 =	sadd.s32 $0x40, s30  }
0x59: {  	v7 =	vld [tilespmem:s30+$0x10]  }
0x5a: {  	s3 =	sadd.s32 $0x40, s3;
	v6 =	vsub.f32 v6, v9;
	v15 =	vld [tilespmem:s1+$0xFFFFFFE0];
	v11 =	vadd.f32 v11, v13;
	v4 =	vmul.f32 v4, v4  }
0x5b: {  	p0 =	slt.u32 s3, $0x26C0;
	v9 =	vld [tilespmem:s30+$0xFFFFFFF0]  }
0x5c: {  	v10 =	vsub.f32 v10, v12;
	v13 =	vld [tilespmem:s1+$0xFFFFFFF0];
	v4 =	vadd.f32 v5, v4;
	v5 =	vmul.f32 v6, v6  }
0x5d: {  	v6 =	vld [tilespmem:s30+$0x0];
	v12 =	vmul.u32 $0x3, v14  }
0x5e: {  	v10 =	vmul.f32 v10, v10;
	v14 =	vld [tilespmem:s1+$0x0];
	v7 =	vmul.u32 $0x3, v7;
	v5 =	vadd.f32 v8, v5  }
0x5f: {  	v8 =	vld [tilespmem:s30+$0xFFFFFFE0];
	v15 =	vmul.u32 $0x3, v15  }
0x60: {  	v16 =	vadd.s32 $0x1, v12;
	v10 =	vadd.f32 v10, v11;
	v9 =	vmul.u32 $0x3, v9;
	v11 =	vld.idx.msk [tilespmem:v0+s4+$0x0], $0xffff  }
0x61: {  	v18 =	vadd.s32 $0x1, v7;
	v17 =	vadd.s32 $0x1, v15;
	v13 =	vmul.u32 $0x3, v13;
	v19 =	vld.idx.msk [tilespmem:v1+s4+$0x0], $0xffff  }
0x62: {  	v20 =	vadd.s32 $0x1, v9;
	v21 =	vmul.u32 $0x3, v6;
	v6 =	vadd.s32 $0x2, v12;
	[tilespmem:s31+$0xFFFFFFE0] =	vst v10;
	v10 =	vld.idx.msk [tilespmem:v2+s4+$0x0], $0xffff  }
0x63: {  	v23 =	vadd.s32 $0x2, v7;
	v22 =	vadd.s32 $0x1, v13;
	v14 =	vmul.u32 $0x3, v14;
	v12 =	vld.idx.msk [tilespmem:v12+s4+$0x0], $0xffff  }
0x64: {  	v24 =	vadd.s32 $0x2, v15;
	v8 =	vmul.u32 $0x3, v8;
	v25 =	vadd.s32 $0x1, v21;
	v7 =	vld.idx.msk [tilespmem:v7+s4+$0x0], $0xffff  }
0x65: {  	v0 =	vadd.s32 $0x2, v9;
	v26 =	vadd.s32 $0x2, v13;
	v27 =	vadd.s32 $0x1, v14;
	v16 =	vld.idx.msk [tilespmem:v16+s4+$0x0], $0xffff  }
0x66: {  	v1 =	vadd.s32 $0x2, v14;
	v28 =	vadd.s32 $0x1, v8;
	v29 =	vadd.s32 $0x2, v8;
	v18 =	vld.idx.msk [tilespmem:v18+s4+$0x0], $0xffff  }
0x67: {  	v2 =	vadd.s32 $0x2, v21;
	v3 =	vsub.f32 v3, v11;
	v6 =	vld.idx.msk [tilespmem:v6+s4+$0x0], $0xffff  }
0x68: {  	v10 =	vsub.f32 v19, v10;
	v11 =	vld.idx.msk [tilespmem:v23+s4+$0x0], $0xffff  }
0x69: {  	v3 =	vmul.f32 v3, v3;
	v17 =	vld.idx.msk [tilespmem:v17+s4+$0x0], $0xffff  }
0x6a: {  	v10 =	vmul.f32 v10, v10;
	v19 =	vld.idx.msk [tilespmem:v22+s4+$0x0], $0xffff  }
0x6b: {  	v3 =	vadd.f32 v3, v4;
	v22 =	vld.idx.msk [tilespmem:v28+s4+$0x0], $0xffff  }
0x6c: {  	v4 =	vsub.f32 v12, v7;
	v7 =	vsub.f32 v16, v18;
	v20 =	vld.idx.msk [tilespmem:v20+s4+$0x0], $0xffff  }
0x6d: {  	v12 =	vld.idx.msk [tilespmem:v27+s4+$0x0], $0xffff;
	[tilespmem:s31+$0xFFFFFFF0] =	vst v3;
	v3 =	vadd.f32 v10, v5  }
0x6e: {  	v4 =	vmul.f32 v4, v4;
	v5 =	vsub.f32 v6, v11;
	v6 =	vmul.f32 v7, v7;
	v10 =	vld.idx.msk [tilespmem:v25+s4+$0x0], $0xffff  }
0x6f: {  	v15 =	vld.idx.msk [tilespmem:v15+s4+$0x0], $0xffff;
	[tilespmem:s31+$0x0] =	vst v3  }
0x70: {  	v6 =	vadd.f32 v6, v4;
	v5 =	vmul.f32 v5, v5;
	v3 =	vld.idx.msk [tilespmem:v8+s4+$0x0], $0xffff  }
0x71: {  	v8 =	vsub.f32 v17, v22;
	v4 =	vld.idx.msk [tilespmem:v13+s4+$0x0], $0xffff  }
0x72: {  	v13 =	vadd.f32 v5, v6;
	v7 =	vld.idx.msk [tilespmem:v9+s4+$0x0], $0xffff;
	v9 =	vsub.f32 v19, v20  }
.Ltmp0:
0x73: {  	s31 =	sadd.s32 $0x40, s31;
	v11 =	vmul.f32 v8, v8;
	v6 =	vld.idx.msk [tilespmem:v14+s4+$0x0], $0xffff;
	(pc) =	sbr.rel @p0 .LBB2_2-.Ltmp0, $4  }
0x74: {  	v8 =	vsub.f32 v12, v10;
	v5 =	vmul.f32 v9, v9;
	v9 =	vld.idx.msk [tilespmem:v21+s4+$0x0], $0xffff;
	[tilespmem:s31+$0x10] =	vst v13  }
0x75: {  	v10 =	vld.idx.msk [tilespmem:v24+s4+$0x0], $0xffff  }
0x76: {  	v13 =	vsub.f32 v15, v3;
	v8 =	vmul.f32 v8, v8;
	v12 =	vld.idx.msk [tilespmem:v29+s4+$0x0], $0xffff  }
0x77: {  	s1 =	sadd.s32 $0x40, s1;
	v3 =	vld.idx.msk [tilespmem:v26+s4+$0x0], $0xffff  }
0x78: {  	_ =	sdelay $0x3  }
0x79: {  	v0 =	vld.idx.msk [tilespmem:v0+s4+$0x0], $0xffff  }
0x7a: {  	v1 =	vld.idx.msk [tilespmem:v1+s4+$0x0], $0xffff  }
0x7b: {  	v2 =	vld.idx.msk [tilespmem:v2+s4+$0x0], $0xffff;
	_ =	sdelay $0x1  }
0x7c: {  	v13 =	vmul.f32 v13, v13;
	v4 =	vsub.f32 v4, v7  }
0x7d: {  	v6 =	vsub.f32 v6, v9;
	v7 =	vsub.f32 v10, v12  }
0x7e: {  	v9 =	vadd.f32 v11, v13;
	v4 =	vmul.f32 v4, v4;
	v0 =	vsub.f32 v3, v0  }
0x7f: {  	v3 =	vmul.f32 v6, v6;
	v6 =	vmul.f32 v7, v7;
	v1 =	vsub.f32 v1, v2  }
0x80: {  	v2 =	vadd.f32 v5, v4;
	v0 =	vmul.f32 v0, v0  }
0x81: {  	v3 =	vadd.f32 v8, v3;
	v4 =	vadd.f32 v6, v9;
	v1 =	vmul.f32 v1, v1  }
0x82: {  	v0 =	vadd.f32 v0, v2  }
0x83: {  	[tilespmem:s31+$0xFFFFFFE0] =	vst v4;
	v1 =	vadd.f32 v1, v3  }
0x84: {  	[tilespmem:s31+$0xFFFFFFF0] =	vst v0  }
0x85: {  	[tilespmem:s31+$0x0] =	vst v1  }
0x86: {  	v0 =	vld [tilespmem:$0xC400]  }
0x87: {  	v1 =	vld [tilespmem:$0x9C80];
	_ =	sdelay $0x3  }
0x88: {  	v0 =	vmul.u32 $0x3, v0  }
0x89: {  	v1 =	vmul.u32 $0x3, v1;
	_ =	sdelay $0x1  }
0x8a: {  	v2 =	vadd.s32 $0x1, v0  }
0x8b: {  	v3 =	vadd.s32 $0x1, v1  }
0x8c: {  	v4 =	vadd.s32 $0x2, v0  }
0x8d: {  	v5 =	vadd.s32 $0x2, v1;
	v0 =	vld.idx.msk [tilespmem:v0+s4+$0x0], $0xffff  }
0x8e: {  	v1 =	vld.idx.msk [tilespmem:v1+s4+$0x0], $0xffff  }
0x8f: {  	v2 =	vld.idx.msk [tilespmem:v2+s4+$0x0], $0xffff  }
0x90: {  	v3 =	vld.idx.msk [tilespmem:v3+s4+$0x0], $0xffff  }
0x91: {  	v4 =	vld.idx.msk [tilespmem:v4+s4+$0x0], $0xffff  }
0x92: {  	v5 =	vld.idx.msk [tilespmem:v5+s4+$0x0], $0xffff;
	_ =	sdelay $0x2  }
0x93: {  	v0 =	vsub.f32 v0, v1;
	v1 =	vsub.f32 v2, v3;
	_ =	sdelay $0x1  }
0x94: {  	v2 =	vsub.f32 v4, v5;
	v0 =	vmul.f32 v0, v0;
	v1 =	vmul.f32 v1, v1;
	_ =	sdelay $0x1  }
0x95: {  	v0 =	vadd.f32 v1, v0;
	v1 =	vmul.f32 v2, v2;
	_ =	sdelay $0x1  }
0x96: {  	v0 =	vadd.f32 v1, v0;
	_ =	sdelay $0x1  }
0x97: {  	[tilespmem:$0xEB80] =	vst v0  }
0x98: {  	[hbm4b:s9+s4] =	stream.linear.scatter [tilespmem:s28], [sflag:$0x2], $0x2710, $0x38;
	[tilespmem:$0x18D80] =	vst v63  }
0x99: {  	_ =	swait.ge [sflag:s15], $0x2710  }
0x9a: {  	[sflag:s15] =	ssyncset.done $0x0  }
0x9b: {  	[sflag:s15] =	ssyncadd.s32 $0xFFFFD8F0  }
0x9c: {  	[tilespmem:s25], [sflag:$0x2] =	stream.linear.gather [hbm4b:s10+s4], $0x2710, $0x38;
	[tilespmem:$0x18D80] =	vst v63  }
0x9d: {  	_ =	swait.ge [sflag:s15], $0x2710  }
0x9e: {  	[sflag:s15] =	ssyncset.done $0x0  }
0x9f: {  	[sflag:s15] =	ssyncadd.s32 $0xFFFFD8F0  }
0xa0: {  	[tilespmem:s26], [sflag:$0x2] =	stream.linear.gather [hbm4b:s11+s4], $0x2710, $0x38;
	[tilespmem:$0x18D80] =	vst v63  }
0xa1: {  	_ =	swait.ge [sflag:s15], $0x2710  }
0xa2: {  	[sflag:s15] =	ssyncset.done $0x0  }
0xa3: {  	s1 =	simm.s32 $0x9D20;
	[sflag:s15] =	ssyncadd.s32 $0xFFFFD8F0  }
0xa4: {  	s30 =	simm.s32 $0x75A0;
	v0 =	vld [tilespmem:s1+$0x10]  }
0xa5: {  	v1 =	vld [tilespmem:s30+$0x10]  }
0xa6: {  	v4 =	vld [tilespmem:s30+$0xFFFFFFE0]  }
0xa7: {  	v3 =	vld [tilespmem:s1+$0xFFFFFFF0];
	_ =	sdelay $0x1  }
0xa8: {  	v0 =	vmul.u32 $0x3, v0  }
0xa9: {  	v1 =	vmul.u32 $0x3, v1  }
0xaa: {  	v2 =	vld [tilespmem:s1+$0xFFFFFFE0];
	v4 =	vmul.u32 $0x3, v4  }
0xab: {  	v7 =	vld [tilespmem:s1+$0x0];
	v3 =	vmul.u32 $0x3, v3  }
0xac: {  	v5 =	vld [tilespmem:s30+$0xFFFFFFF0]  }
0xad: {  	v9 =	vld [tilespmem:s30+$0x0];
	v6 =	vadd.s32 $0x1, v0  }
0xae: {  	v8 =	vadd.s32 $0x1, v1;
	v10 =	vadd.s32 $0x2, v0;
	v0 =	vld.idx.msk [tilespmem:v0+s4+$0x0], $0xffff  }
0xaf: {  	v2 =	vmul.u32 $0x3, v2;
	v11 =	vadd.s32 $0x2, v1;
	v1 =	vld.idx.msk [tilespmem:v1+s4+$0x0], $0xffff  }
0xb0: {  	v14 =	vmul.u32 $0x3, v7;
	v20 =	vld.idx.msk [tilespmem:v4+s4+$0x0], $0xffff  }
0xb1: {  	v12 =	vadd.s32 $0x1, v2;
	v7 =	vadd.s32 $0x1, v4;
	v19 =	vadd.s32 $0x2, v4;
	v4 =	vld.idx.msk [tilespmem:v3+s4+$0x0], $0xffff  }
0xb2: {  	v5 =	vmul.u32 $0x3, v5;
	v13 =	vadd.s32 $0x1, v3;
	v6 =	vld.idx.msk [tilespmem:v6+s4+$0x0], $0xffff  }
0xb3: {  	v16 =	vmul.u32 $0x3, v9;
	v8 =	vld.idx.msk [tilespmem:v8+s4+$0x0], $0xffff  }
0xb4: {  	v15 =	vadd.s32 $0x1, v5;
	v9 =	vld.idx.msk [tilespmem:v10+s4+$0x0], $0xffff  }
0xb5: {  	v17 =	vadd.s32 $0x1, v16;
	v11 =	vld.idx.msk [tilespmem:v11+s4+$0x0], $0xffff  }
0xb6: {  	v10 =	vadd.s32 $0x1, v14;
	v12 =	vld.idx.msk [tilespmem:v12+s4+$0x0], $0xffff  }
0xb7: {  	v13 =	vld.idx.msk [tilespmem:v13+s4+$0x0], $0xffff  }
0xb8: {  	v18 =	vld.idx.msk [tilespmem:v7+s4+$0x0], $0xffff  }
0xb9: {  	v15 =	vld.idx.msk [tilespmem:v15+s4+$0x0], $0xffff  }
0xba: {  	v3 =	vadd.s32 $0x2, v3;
	v17 =	vld.idx.msk [tilespmem:v17+s4+$0x0], $0xffff  }
0xbb: {  	v0 =	vsub.f32 v0, v1;
	v10 =	vld.idx.msk [tilespmem:v10+s4+$0x0], $0xffff;
	v1 =	vsub.f32 v6, v8  }
0xbc: {  	v8 =	vld.idx.msk [tilespmem:v2+s4+$0x0], $0xffff;
	v2 =	vadd.s32 $0x2, v2  }
0xbd: {  	v6 =	vsub.f32 v9, v11;
	v0 =	vmul.f32 v0, v0;
	v1 =	vmul.f32 v1, v1  }
0xbe: {  	v7 =	vld.idx.msk [tilespmem:v5+s4+$0x0], $0xffff  }
0xbf: {  	v3 =	vld.idx.msk [tilespmem:v3+s4+$0x0], $0xffff;
	v11 =	vmul.f32 v6, v6;
	v1 =	vadd.f32 v1, v0  }
0xc0: {  	v12 =	vsub.f32 v12, v18;
	v13 =	vsub.f32 v13, v15;
	v9 =	vld.idx.msk [tilespmem:v16+s4+$0x0], $0xffff  }
0xc1: {  	v6 =	vld.idx.msk [tilespmem:v14+s4+$0x0], $0xffff;
	v0 =	vadd.s32 $0x2, v5;
	v17 =	vsub.f32 v10, v17;
	v15 =	vadd.f32 v11, v1  }
0xc2: {  	s31 =	simm.s32 $0xC4A0;
	v5 =	vmul.f32 v13, v13;
	v10 =	vld.idx.msk [tilespmem:v2+s4+$0x0], $0xffff;
	v2 =	vadd.s32 $0x2, v16;
	v13 =	vsub.f32 v8, v20  }
0xc3: {  	s3 =	simm.s32 $0x0;
	s1 =	simm.s32 $0x9D60;
	v1 =	vadd.s32 $0x2, v14;
	v11 =	vmul.f32 v12, v12;
	v12 =	vld.idx.msk [tilespmem:v19+s4+$0x0], $0xffff;
	v8 =	vmul.f32 v17, v17;
	[tilespmem:s31+$0x10] =	vst v15  }
.LBB2_4:
0xc4: {  	v14 =	vld [tilespmem:s1+$0x10];
	v13 =	vmul.f32 v13, v13;
	v4 =	vsub.f32 v4, v7;
	s30 =	sadd.s32 $0x40, s30  }
0xc5: {  	v7 =	vld [tilespmem:s30+$0x10]  }
0xc6: {  	s3 =	sadd.s32 $0x40, s3;
	v6 =	vsub.f32 v6, v9;
	v15 =	vld [tilespmem:s1+$0xFFFFFFE0];
	v11 =	vadd.f32 v11, v13;
	v4 =	vmul.f32 v4, v4  }
0xc7: {  	p0 =	slt.u32 s3, $0x26C0;
	v9 =	vld [tilespmem:s30+$0xFFFFFFF0]  }
0xc8: {  	v10 =	vsub.f32 v10, v12;
	v13 =	vld [tilespmem:s1+$0xFFFFFFF0];
	v4 =	vadd.f32 v5, v4;
	v5 =	vmul.f32 v6, v6  }
0xc9: {  	v6 =	vld [tilespmem:s30+$0x0];
	v12 =	vmul.u32 $0x3, v14  }
0xca: {  	v10 =	vmul.f32 v10, v10;
	v14 =	vld [tilespmem:s1+$0x0];
	v7 =	vmul.u32 $0x3, v7;
	v5 =	vadd.f32 v8, v5  }
0xcb: {  	v8 =	vld [tilespmem:s30+$0xFFFFFFE0];
	v15 =	vmul.u32 $0x3, v15  }
0xcc: {  	v16 =	vadd.s32 $0x1, v12;
	v10 =	vadd.f32 v10, v11;
	v9 =	vmul.u32 $0x3, v9;
	v11 =	vld.idx.msk [tilespmem:v0+s4+$0x0], $0xffff  }
0xcd: {  	v18 =	vadd.s32 $0x1, v7;
	v17 =	vadd.s32 $0x1, v15;
	v13 =	vmul.u32 $0x3, v13;
	v19 =	vld.idx.msk [tilespmem:v1+s4+$0x0], $0xffff  }
0xce: {  	v20 =	vadd.s32 $0x1, v9;
	v21 =	vmul.u32 $0x3, v6;
	v6 =	vadd.s32 $0x2, v12;
	[tilespmem:s31+$0xFFFFFFE0] =	vst v10;
	v10 =	vld.idx.msk [tilespmem:v2+s4+$0x0], $0xffff  }
0xcf: {  	v23 =	vadd.s32 $0x2, v7;
	v22 =	vadd.s32 $0x1, v13;
	v14 =	vmul.u32 $0x3, v14;
	v12 =	vld.idx.msk [tilespmem:v12+s4+$0x0], $0xffff  }
0xd0: {  	v24 =	vadd.s32 $0x2, v15;
	v8 =	vmul.u32 $0x3, v8;
	v25 =	vadd.s32 $0x1, v21;
	v7 =	vld.idx.msk [tilespmem:v7+s4+$0x0], $0xffff  }
0xd1: {  	v0 =	vadd.s32 $0x2, v9;
	v26 =	vadd.s32 $0x2, v13;
	v27 =	vadd.s32 $0x1, v14;
	v16 =	vld.idx.msk [tilespmem:v16+s4+$0x0], $0xffff  }
0xd2: {  	v1 =	vadd.s32 $0x2, v14;
	v28 =	vadd.s32 $0x1, v8;
	v29 =	vadd.s32 $0x2, v8;
	v18 =	vld.idx.msk [tilespmem:v18+s4+$0x0], $0xffff  }
0xd3: {  	v2 =	vadd.s32 $0x2, v21;
	v3 =	vsub.f32 v3, v11;
	v6 =	vld.idx.msk [tilespmem:v6+s4+$0x0], $0xffff  }
0xd4: {  	v10 =	vsub.f32 v19, v10;
	v11 =	vld.idx.msk [tilespmem:v23+s4+$0x0], $0xffff  }
0xd5: {  	v3 =	vmul.f32 v3, v3;
	v17 =	vld.idx.msk [tilespmem:v17+s4+$0x0], $0xffff  }
0xd6: {  	v10 =	vmul.f32 v10, v10;
	v19 =	vld.idx.msk [tilespmem:v22+s4+$0x0], $0xffff  }
0xd7: {  	v3 =	vadd.f32 v3, v4;
	v22 =	vld.idx.msk [tilespmem:v28+s4+$0x0], $0xffff  }
0xd8: {  	v4 =	vsub.f32 v12, v7;
	v7 =	vsub.f32 v16, v18;
	v20 =	vld.idx.msk [tilespmem:v20+s4+$0x0], $0xffff  }
0xd9: {  	v12 =	vld.idx.msk [tilespmem:v27+s4+$0x0], $0xffff;
	[tilespmem:s31+$0xFFFFFFF0] =	vst v3;
	v3 =	vadd.f32 v10, v5  }
0xda: {  	v4 =	vmul.f32 v4, v4;
	v5 =	vsub.f32 v6, v11;
	v6 =	vmul.f32 v7, v7;
	v10 =	vld.idx.msk [tilespmem:v25+s4+$0x0], $0xffff  }
0xdb: {  	v15 =	vld.idx.msk [tilespmem:v15+s4+$0x0], $0xffff;
	[tilespmem:s31+$0x0] =	vst v3  }
0xdc: {  	v6 =	vadd.f32 v6, v4;
	v5 =	vmul.f32 v5, v5;
	v3 =	vld.idx.msk [tilespmem:v8+s4+$0x0], $0xffff  }
0xdd: {  	v8 =	vsub.f32 v17, v22;
	v4 =	vld.idx.msk [tilespmem:v13+s4+$0x0], $0xffff  }
0xde: {  	v13 =	vadd.f32 v5, v6;
	v7 =	vld.idx.msk [tilespmem:v9+s4+$0x0], $0xffff;
	v9 =	vsub.f32 v19, v20  }
.Ltmp1:
0xdf: {  	s31 =	sadd.s32 $0x40, s31;
	v11 =	vmul.f32 v8, v8;
	v6 =	vld.idx.msk [tilespmem:v14+s4+$0x0], $0xffff;
	(pc) =	sbr.rel @p0 .LBB2_4-.Ltmp1, $4  }
0xe0: {  	v8 =	vsub.f32 v12, v10;
	v5 =	vmul.f32 v9, v9;
	v9 =	vld.idx.msk [tilespmem:v21+s4+$0x0], $0xffff;
	[tilespmem:s31+$0x10] =	vst v13  }
0xe1: {  	v10 =	vld.idx.msk [tilespmem:v24+s4+$0x0], $0xffff  }
0xe2: {  	v13 =	vsub.f32 v15, v3;
	v8 =	vmul.f32 v8, v8;
	v12 =	vld.idx.msk [tilespmem:v29+s4+$0x0], $0xffff  }
0xe3: {  	s1 =	sadd.s32 $0x40, s1;
	v3 =	vld.idx.msk [tilespmem:v26+s4+$0x0], $0xffff  }
0xe4: {  	_ =	sdelay $0x3  }
0xe5: {  	v0 =	vld.idx.msk [tilespmem:v0+s4+$0x0], $0xffff  }
0xe6: {  	v1 =	vld.idx.msk [tilespmem:v1+s4+$0x0], $0xffff  }
0xe7: {  	v2 =	vld.idx.msk [tilespmem:v2+s4+$0x0], $0xffff;
	_ =	sdelay $0x1  }
0xe8: {  	v13 =	vmul.f32 v13, v13;
	v4 =	vsub.f32 v4, v7  }
0xe9: {  	v6 =	vsub.f32 v6, v9;
	v51 =	vsub.f32 v10, v12  }
0xea: {  	v52 =	vadd.f32 v11, v13;
	v4 =	vmul.f32 v4, v4;
	v0 =	vsub.f32 v3, v0  }
0xeb: {  	v53 =	vmul.f32 v6, v6;
	v54 =	vmul.f32 v51, v51;
	v1 =	vsub.f32 v1, v2  }
0xec: {  	v55 =	vadd.f32 v5, v4;
	v0 =	vmul.f32 v0, v0  }
0xed: {  	v3 =	vadd.f32 v8, v53;
	v56 =	vadd.f32 v54, v52;
	v1 =	vmul.f32 v1, v1  }
0xee: {  	v0 =	vadd.f32 v0, v55  }
0xef: {  	[tilespmem:s31+$0xFFFFFFE0] =	vst v56;
	v1 =	vadd.f32 v1, v3  }
0xf0: {  	[tilespmem:s31+$0xFFFFFFF0] =	vst v0  }
0xf1: {  	[tilespmem:s31+$0x0] =	vst v1  }
0xf2: {  	v0 =	vld [tilespmem:$0xC400]  }
0xf3: {  	v1 =	vld [tilespmem:$0x9C80];
	_ =	sdelay $0x3  }
0xf4: {  	v0 =	vmul.u32 $0x3, v0  }
0xf5: {  	v1 =	vmul.u32 $0x3, v1;
	_ =	sdelay $0x1  }
0xf6: {  	v57 =	vadd.s32 $0x1, v0  }
0xf7: {  	v58 =	vadd.s32 $0x1, v1  }
0xf8: {  	v59 =	vadd.s32 $0x2, v0  }
0xf9: {  	v60 =	vadd.s32 $0x2, v1;
	v0 =	vld.idx.msk [tilespmem:v0+s4+$0x0], $0xffff  }
0xfa: {  	v1 =	vld.idx.msk [tilespmem:v1+s4+$0x0], $0xffff  }
0xfb: {  	v2 =	vld.idx.msk [tilespmem:v57+s4+$0x0], $0xffff  }
0xfc: {  	v3 =	vld.idx.msk [tilespmem:v58+s4+$0x0], $0xffff  }
0xfd: {  	v4 =	vld.idx.msk [tilespmem:v59+s4+$0x0], $0xffff  }
0xfe: {  	v5 =	vld.idx.msk [tilespmem:v60+s4+$0x0], $0xffff;
	_ =	sdelay $0x2  }
0xff: {  	v0 =	vsub.f32 v0, v1;
	v61 =	vsub.f32 v2, v3;
	_ =	sdelay $0x1  }
0x100: {  	v62 =	vsub.f32 v4, v5;
	v0 =	vmul.f32 v0, v0;
	v1 =	vmul.f32 v61, v61;
	_ =	sdelay $0x1  }
0x101: {  	v63 =	vmul.f32 v62, v62;
	v0 =	vadd.f32 v1, v0;
	_ =	sdelay $0x1  }
0x102: {  	s29 =	sadd.s32 $0x1, s29;
	v0 =	vadd.f32 v63, v0  }
0x103: {  	p0 =	sne.s32 s29, s13  }
.Ltmp2:
0x104: {  	[tilespmem:$0xEB80] =	vst v0;
	(pc) =	sbr.rel @p0 .LBB2_1-.Ltmp2, $4  }
0x105: {  	[hbm4b:s12+s4] =	stream.linear.scatter [tilespmem:s28], [sflag:$0x2], $0x2710, $0x38;
	[tilespmem:$0x18D80] =	vst v63  }
0x106: {  	_ =	swait.ge [sflag:s15], $0x2710  }
0x107: {  	[sflag:s15] =	ssyncset.done $0x0  }
0x108: {  	[sflag:s15] =	ssyncadd.s32 $0xFFFFD8F0  }
0x109: {  	_ =	sfence.sel $0x180000  }
0x10a: {  	[bflag:$0x0] =	sbarrier.arrive $0xFFFF  }
0x10b: {  	_ =	strace $0x90000047  }
0x10c: {  	s0 =	stileid.u32;
	[bflag:$0x2] =	sbarrier.arrive $0xFFFF  }
0x10d: {  	p0 =	sne.s32 s0, $0x0;
	s0 =	rddreg [dreg:$0x7]  }
0x10e: {  	s0 =	sadd.s32 @!p0 $0x100000, s0  }
0x10f: {  	[sflag:s0] =	ssyncadd.tile.s32 @!p0 $0x1;
	_ =	shalt  }
.Lfunc_end2:
_tile_overlayer_lowered:
.L_overlay_start_2:
0x110: {  	(tag) =	ssettag $0x2  }
0x111: {  	s0 =	rddreg [dreg:$0x0];
	s2 =	stileid.u32  }
0x112: {  	s1 =	rddreg [dreg:$0x1];
	p0 =	sne.s32 s2, $0x0  }
0x113: {  	s3 =	rddreg [dreg:$0x2];
	[bflag:$0x3] =	sbarrier.arrive $0xFFFF;
	s2 =	simm.s32 @!p0 $0x1C02  }
0x114: {  	[timem:s3], [sflag:s2] =	dma.local @!p0 [hbm:s0], s1  }
0x115: {  	s0 =	simm.s32 @!p0 $0x2  }
0x116: {  	_ =	swait.ge @!p0 [sflag:s0], s1  }
0x117: {  	s1 =	ssub.s32 @!p0 $0x0, s1;
	[sflag:s0] =	ssyncset.done @!p0 $0x0  }
0x118: {  	[sflag:s0] =	ssyncadd.s32 @!p0 s1  }
0x119: {  	[bflag:$0x3] =	sbarrier.arrive $0xFFFF  }
0x11a: {  	_ =	shalt  }

</sc_bundles>
